<compile_context>
chip_gen: v7x
topology: tpu7x:2x2x1
jax: 0.10.2.dev20260603
libtpu: 0.0.44.dev20260713+nightly
codegen_flags: <defaults>
</compile_context>

<pallas_src>
import functools

import jax
import jax.numpy as jnp
from jax import lax
from jax.experimental import pallas as pl
from jax.experimental.pallas import tpu as pltpu
from jax.experimental.pallas import tpu_sc as plsc

B = 4
N = 10000
E = 160000
OUT = 64

NC = 2
NT = 16
L = 16
NP = 10240
SW = NP // NT
EC = E // NT
CH = 80
NCH = EC // CH


_GDN = lax.GatherDimensionNumbers(
    offset_dims=(), collapsed_slice_dims=(0,), start_index_map=(0,))


def _lanefold_min(v):
    for sh in (8, 4, 2, 1):
        perm = jnp.bitwise_xor(lax.iota(jnp.int32, L), jnp.int32(sh))
        p = lax.gather(v, perm[:, None], dimension_numbers=_GDN,
                       slice_sizes=(1,),
                       mode=lax.GatherScatterMode.PROMISE_IN_BOUNDS)
        v = jnp.minimum(v, p)
    return v


def _rsqrt(d):
    y = jnp.full(d.shape, 0.5, jnp.float32)
    for k in range(1, 9):
        y = jnp.where(d >= jnp.float32(4.0 ** k),
                      jnp.float32(2.0 ** (-(k + 1))), y)
    for _ in range(6):
        y = y * (1.5 - 0.5 * d * y * y)
    return y


def _sc_body(xp, ef, s_out,
             rowz, colz_f, colz, ones_v, vals_v, xs,
             dstr, ustr, ystr, tstr, sstr, zstr,
             minb, mall, u_loc, min_sh, deg_sh, t_sh, u_sh, sem):
    c = lax.axis_index("c")
    t = lax.axis_index("s")
    base = t * SW

    def _fill_ones(i, _):
        ones_v[pl.ds(i * L, L)] = jnp.full((L,), 1.0, jnp.float32)
        return 0
    lax.fori_loop(0, CH // L, _fill_ones, 0)

    def _fill_zero(i, _):
        zstr[pl.ds(i * L, L)] = jnp.zeros((L,), jnp.float32)
        return 0
    lax.fori_loop(0, SW // L, _fill_zero, 0)

    def _per_batch(p, _):
        b = c * 2 + p

        pltpu.sync_copy(zstr, deg_sh.at[pl.ds(base, SW)])
        pltpu.sync_copy(zstr, t_sh.at[pl.ds(base, SW)])
        pltpu.sync_copy(ef.at[pl.ds(b * 2 * E + t * EC, EC)], rowz)
        pltpu.sync_copy(ef.at[pl.ds((b * 2 + 1) * E + t * EC, EC)], colz_f)
        pltpu.sync_copy(xp.at[pl.ds(b * NP + base, SW)], xs)

        def _lmin(i, acc):
            sl = pl.ds(i * L, L)
            return jnp.minimum(acc, jnp.minimum(rowz[sl], colz_f[sl]))
        macc = lax.fori_loop(0, EC // L, _lmin,
                             jnp.full((L,), jnp.int32(2147483647)))
        minb[...] = macc
        pltpu.sync_copy(minb, min_sh.at[t])
        plsc.subcore_barrier()
        pltpu.sync_copy(min_sh, mall)
        gacc = mall[0]
        for i in range(1, NT):
            gacc = jnp.minimum(gacc, mall[i])
        mv = _lanefold_min(gacc)

        def _deg(j, _):
            for k in range(CH // L):
                colz[j, pl.ds(k * L, L)] = colz_f[pl.ds(j * CH + k * L, L)] - mv
            pltpu.async_copy(ones_v, deg_sh.at[colz.at[j]], sem, add=True)
            return 0
        lax.fori_loop(0, NCH, _deg, 0)
        pltpu.make_async_copy(xp.at[pl.ds(0, EC)], vals_v, sem).wait()
        plsc.subcore_barrier()

        pltpu.sync_copy(deg_sh.at[pl.ds(base, SW)], dstr)

        def _du(i, _):
            sl = pl.ds(i * L, L)
            d = dstr[sl] + 1.0
            y = _rsqrt(d)
            ystr[sl] = y
            ustr[sl] = y * xs[sl]
            return 0
        lax.fori_loop(0, SW // L, _du, 0)
        pltpu.sync_copy(ustr, u_sh.at[pl.ds(base, SW)])
        plsc.subcore_barrier()

        pltpu.sync_copy(u_sh, u_loc)

        def _gs(j, _):
            for k in range(CH // L):
                sl = pl.ds(j * CH + k * L, L)
                rv = rowz[sl] - mv
                vals_v[sl] = plsc.load_gather(u_loc, [rv])
            pltpu.async_copy(vals_v.at[pl.ds(j * CH, CH)],
                             t_sh.at[colz.at[j]], sem, add=True)
            return 0
        lax.fori_loop(0, NCH, _gs, 0)
        pltpu.make_async_copy(xp.at[pl.ds(0, EC)], vals_v, sem).wait()
        plsc.subcore_barrier()

        pltpu.sync_copy(t_sh.at[pl.ds(base, SW)], tstr)

        def _s(i, _):
            sl = pl.ds(i * L, L)
            sstr[sl] = ystr[sl] * (tstr[sl] + ustr[sl])
            return 0
        lax.fori_loop(0, SW // L, _s, 0)
        pltpu.sync_copy(sstr, s_out.at[pl.ds(b * NP + base, SW)])
        return 0

    lax.fori_loop(0, B // NC, _per_batch, 0)


def _sc_segment_s(xp, ef):
    mesh = plsc.VectorSubcoreMesh(core_axis_name="c", subcore_axis_name="s")
    f = pl.kernel(
        _sc_body,
        out_type=jax.ShapeDtypeStruct((B * NP,), jnp.float32),
        mesh=mesh,
        compiler_params=pltpu.CompilerParams(needs_layout_passes=False),
        scratch_types=[
            pltpu.VMEM((EC,), jnp.int32),
            pltpu.VMEM((EC,), jnp.int32),
            pltpu.VMEM((NCH, CH), jnp.int32),
            pltpu.VMEM((CH,), jnp.float32),
            pltpu.VMEM((EC,), jnp.float32),
            pltpu.VMEM((SW,), jnp.float32),
            pltpu.VMEM((SW,), jnp.float32),
            pltpu.VMEM((SW,), jnp.float32),
            pltpu.VMEM((SW,), jnp.float32),
            pltpu.VMEM((SW,), jnp.float32),
            pltpu.VMEM((SW,), jnp.float32),
            pltpu.VMEM((SW,), jnp.float32),
            pltpu.VMEM((L,), jnp.int32),
            pltpu.VMEM((NT, L), jnp.int32),
            pltpu.VMEM((NP,), jnp.float32),
            pltpu.VMEM_SHARED((NT, L), jnp.int32),
            pltpu.VMEM_SHARED((NP,), jnp.float32),
            pltpu.VMEM_SHARED((NP,), jnp.float32),
            pltpu.VMEM_SHARED((NP,), jnp.float32),
            pltpu.SemaphoreType.DMA,
        ],
    )
    return f(xp, ef)


BN = 2048


def _tc_body(s_ref, wz, bz, lzw, lzb, wh, bh, lhw, lhb, o_ref):
    az = jnp.dot(wz[...], lzw[:OUT, :])
    cz = jnp.dot(bz[...], lzw[:OUT, :]) + lzb[...]
    ah = jnp.dot(wh[...], lhw[:OUT, :])
    ch = jnp.dot(bh[...], lhw[:OUT, :]) + lhb[...]
    s = s_ref[...][:, :, None]
    z = jax.nn.sigmoid(s * az[0] + cz[0])
    ht = jnp.tanh(s * ah[0] + ch[0])
    o_ref[...] = (1.0 - z) * ht


def _tc_expand(s_pad, wz, bz, lzw, lzb, wh, bh, lhw, lhb):
    wspec = lambda shape: pl.BlockSpec(shape, lambda j: (0,) * len(shape))
    return pl.pallas_call(
        _tc_body,
        grid=(pl.cdiv(N, BN),),
        in_specs=[
            pl.BlockSpec((B, BN), lambda j: (0, j)),
            wspec((1, OUT)), wspec((1, OUT)), wspec((2 * OUT, OUT)),
            wspec((1, OUT)),
            wspec((1, OUT)), wspec((1, OUT)), wspec((2 * OUT, OUT)),
            wspec((1, OUT)),
        ],
        out_specs=pl.BlockSpec((B, BN, OUT), lambda j: (0, j, 0)),
        out_shape=jax.ShapeDtypeStruct((B, N, OUT), jnp.float32),
    )(s_pad, wz, bz, lzw, lzb, wh, bh, lhw, lhb)


@jax.jit
def kernel(X, edge_index, Wz, bz, Lzw, Lzb, Wr, br, Lrw, Lrb, Wh, bh, Lhw, Lhb):
    del Wr, br, Lrw, Lrb
    xp = jnp.pad(X.reshape(B, N), ((0, 0), (0, NP - N)))
    ef = edge_index.astype(jnp.int32).reshape(-1)
    s_pad = _sc_segment_s(xp.reshape(-1), ef).reshape(B, NP)
    return _tc_expand(
        s_pad,
        Wz.reshape(1, OUT), bz.reshape(1, OUT), Lzw, Lzb.reshape(1, OUT),
        Wh.reshape(1, OUT), bh.reshape(1, OUT), Lhw, Lhb.reshape(1, OUT),
    )

# --- scband reference (transcript-rebuilt; emitter-appended) ---
"""Pipeline reference for scband-tgcn2-27650999451685 (READ-ONLY COPY).

The authoritative reference and input builder live on the scoring server;
editing this copy changes nothing except your own understanding.
"""

import jax, jax.numpy as jnp
import numpy as np

B = 4
N = 10000
E = 160000
OUT = 64


def gcn_conv(x, ei, W, b):
    n = x.shape[0]
    ei = ei - ei.min()
    row = ei[0]
    col = ei[1]
    loop = jnp.arange(n, dtype=row.dtype)
    row = jnp.concatenate([row, loop])
    col = jnp.concatenate([col, loop])
    ew = jnp.ones(row.shape[0], dtype=x.dtype)
    deg = jnp.zeros((n,), x.dtype).at[col].add(ew)
    dinv = jnp.where(deg > 0, 1.0 / jnp.sqrt(deg), 0.0)
    norm = dinv[row] * ew * dinv[col]
    xw = x @ W
    out = jnp.zeros((n, W.shape[1]), x.dtype).at[col].add(norm[:, None] * xw[row])
    return out + b


def setup_inputs(seed: int = 0):
    key = jax.random.key(seed)
    ks = jax.random.split(key, 16)
    lin_s = 1.0 / np.sqrt(2 * OUT)
    inp = {}
    inp['X'] = jax.random.normal(ks[0], (B, N, 1), jnp.float32)
    inp['edge_index'] = jax.random.randint(ks[1], (B, 2, E), 0, N, dtype=jnp.int32)
    inp['Wz'] = jax.random.normal(ks[2], (1, OUT), jnp.float32)
    inp['bz'] = jnp.zeros((OUT,), jnp.float32)
    inp['Lzw'] = jax.random.normal(ks[3], (2 * OUT, OUT), jnp.float32) * lin_s
    inp['Lzb'] = jax.random.normal(ks[4], (OUT,), jnp.float32) * lin_s
    inp['Wr'] = jax.random.normal(ks[5], (1, OUT), jnp.float32)
    inp['br'] = jnp.zeros((OUT,), jnp.float32)
    inp['Lrw'] = jax.random.normal(ks[6], (2 * OUT, OUT), jnp.float32) * lin_s
    inp['Lrb'] = jax.random.normal(ks[7], (OUT,), jnp.float32) * lin_s
    inp['Wh'] = jax.random.normal(ks[8], (1, OUT), jnp.float32)
    inp['bh'] = jnp.zeros((OUT,), jnp.float32)
    inp['Lhw'] = jax.random.normal(ks[9], (2 * OUT, OUT), jnp.float32) * lin_s
    inp['Lhb'] = jax.random.normal(ks[10], (OUT,), jnp.float32) * lin_s
    return inp


def reference(X, edge_index, Wz, bz, Lzw, Lzb, Wr, br, Lrw, Lrb, Wh, bh, Lhw, Lhb):
    H = jnp.zeros((B, N, OUT), X.dtype)
    Z = []
    for i in range(B):
        Xi = X[i].reshape(N, 1)
        Ci = gcn_conv(Xi, edge_index[i], Wz, bz)
        Zi = jax.nn.sigmoid(jnp.concatenate([Ci, H[i]], axis=1) @ Lzw + Lzb)
        Z.append(Zi)
    Z = jnp.stack(Z, axis=0)
    R = []
    for i in range(B):
        Xi = X[i].reshape(N, 1)
        Ci = gcn_conv(Xi, edge_index[i], Wr, br)
        Ri = jax.nn.sigmoid(jnp.concatenate([Ci, H[i]], axis=1) @ Lrw + Lrb)
        R.append(Ri)
    R = jnp.stack(R, axis=0)
    Ht = []
    for i in range(B):
        Xi = X[i].reshape(N, 1)
        Ci = gcn_conv(Xi, edge_index[i], Wh, bh)
        Hti = jnp.tanh(jnp.concatenate([Ci, H[i] * R[i]], axis=1) @ Lhw + Lhb)
        Ht.append(Hti)
    Ht = jnp.stack(Ht, axis=0)
    Hnew = []
    for i in range(B):
        Hnew.append(Z[i] * H[i] + (1.0 - Z[i]) * Ht[i])
    return jnp.stack(Hnew, axis=0)

if __name__ == "__main__":
    import jax
    _d = setup_inputs()
    print(jax.jit(kernel)(*tuple(_d.values())))

</pallas_src>

<mosaic_0001>
#map = affine_map<(d0, d1) -> (0)>
module attributes {stable_mosaic.version = 14 : i64} {
  func.func @_sc_body(%arg0: i32, %arg1: i32, %arg2: memref<40960xf32, #tpu.memory_space<hbm>>, %arg3: memref<1280000xi32, #tpu.memory_space<hbm>>, %arg4: memref<40960xf32, #tpu.memory_space<hbm>>, %arg5: memref<10000xi32, #tpu.memory_space<vmem>>, %arg6: memref<10000xi32, #tpu.memory_space<vmem>>, %arg7: memref<125x80xi32, #tpu.memory_space<vmem>>, %arg8: memref<80xf32, #tpu.memory_space<vmem>>, %arg9: memref<10000xf32, #tpu.memory_space<vmem>>, %arg10: memref<640xf32, #tpu.memory_space<vmem>>, %arg11: memref<640xf32, #tpu.memory_space<vmem>>, %arg12: memref<640xf32, #tpu.memory_space<vmem>>, %arg13: memref<640xf32, #tpu.memory_space<vmem>>, %arg14: memref<640xf32, #tpu.memory_space<vmem>>, %arg15: memref<640xf32, #tpu.memory_space<vmem>>, %arg16: memref<640xf32, #tpu.memory_space<vmem>>, %arg17: memref<16xi32, #tpu.memory_space<vmem>>, %arg18: memref<16x16xi32, #tpu.memory_space<vmem>>, %arg19: memref<10240xf32, #tpu.memory_space<vmem>>, %arg20: memref<16x16xi32, #tpu.memory_space<vmem_shared>>, %arg21: memref<10240xf32, #tpu.memory_space<vmem_shared>>, %arg22: memref<10240xf32, #tpu.memory_space<vmem_shared>>, %arg23: memref<10240xf32, #tpu.memory_space<vmem_shared>>, %arg24: memref<!tpu.dma_semaphore, #tpu.memory_space<semaphore_mem>>) attributes {dimension_semantics = [#tpu.dimension_semantics<core_parallel>, #tpu.dimension_semantics<subcore_parallel>], iteration_bounds = array<i64: 2, 16>, scalar_prefetch = 0 : i64, scratch_operands = 20 : i64, tpu.core_type = #tpu.core_type<sc_vector_subcore>, window_params = [{transform_indices = #map}, {transform_indices = #map}, {transform_indices = #map}]} {
    %mul3A = arith.constant 640 : i32
    %mul3A_0 = arith.muli %arg1, %mul3A : i32
    %scan3A = arith.constant 0 : i32
    %scan3A_1 = arith.constant 0 : i32
    %scan3A_2 = arith.constant 5 : i32
    %scan3A_3 = arith.addi %scan3A_1, %scan3A_2 : i32
    %scan3A_4 = arith.constant 1 : i32
    %scan3A_5 = scf.for %scan3A_21 = %scan3A_1 to %scan3A_3 step %scan3A_4 iter_args(%scan3A_22 = %scan3A) -> (i32)  : i32 {
      %broadcast_in_dim3A = arith.constant 1.000000e+00 : f32
      %broadcast_in_dim3A_23 = vector.broadcast %broadcast_in_dim3A : f32 to vector<16xf32>
      %mul3A_24 = arith.constant 16 : i32
      %mul3A_25 = arith.muli %scan3A_21, %mul3A_24 : i32
      %swap3A = arith.index_cast %mul3A_25 : i32 to index
      %swap3A_26 = tpu.vector_load %arg8[%swap3A] {strides = array<i32>} : memref<80xf32, #tpu.memory_space<vmem>>, vector<16xf32>,
      tpu.vector_store %arg8[%swap3A], %broadcast_in_dim3A_23 {strides = array<i32>} : memref<80xf32, #tpu.memory_space<vmem>>, vector<16xf32>,
      %scan3A_27 = arith.constant 0 : i32
      scf.yield %scan3A_27 : i32
    }
    %scan3A_6 = arith.constant 5 : i32
    %scan3A_7 = arith.constant 0 : i32
    %scan3A_8 = arith.constant 0 : i32
    %scan3A_9 = arith.constant 40 : i32
    %scan3A_10 = arith.addi %scan3A_8, %scan3A_9 : i32
    %scan3A_11 = arith.constant 1 : i32
    %scan3A_12 = scf.for %scan3A_21 = %scan3A_8 to %scan3A_10 step %scan3A_11 iter_args(%scan3A_22 = %scan3A_7) -> (i32)  : i32 {
      %broadcast_in_dim3A = arith.constant 0.000000e+00 : f32
      %broadcast_in_dim3A_23 = vector.broadcast %broadcast_in_dim3A : f32 to vector<16xf32>
      %mul3A_24 = arith.constant 16 : i32
      %mul3A_25 = arith.muli %scan3A_21, %mul3A_24 : i32
      %swap3A = arith.index_cast %mul3A_25 : i32 to index
      %swap3A_26 = tpu.vector_load %arg16[%swap3A] {strides = array<i32>} : memref<640xf32, #tpu.memory_space<vmem>>, vector<16xf32>,
      tpu.vector_store %arg16[%swap3A], %broadcast_in_dim3A_23 {strides = array<i32>} : memref<640xf32, #tpu.memory_space<vmem>>, vector<16xf32>,
      %scan3A_27 = arith.constant 0 : i32
      scf.yield %scan3A_27 : i32
    }
    %scan3A_13 = arith.constant 40 : i32
    %scan3A_14 = arith.constant 0 : i32
    %scan3A_15 = arith.constant 0 : i32
    %scan3A_16 = arith.constant 2 : i32
    %scan3A_17 = arith.addi %scan3A_15, %scan3A_16 : i32
    %scan3A_18 = arith.constant 1 : i32
    %scan3A_19 = scf.for %scan3A_21 = %scan3A_15 to %scan3A_17 step %scan3A_18 iter_args(%scan3A_22 = %scan3A_14) -> (i32)  : i32 {
      %mul3A_23 = arith.constant 2 : i32
      %mul3A_24 = arith.muli %arg0, %mul3A_23 : i32
      %add3A = arith.addi %mul3A_24, %scan3A_21 : i32
      "tpu.region"() ({
        %run_scoped3A = tpu.sem_alloc : memref<!tpu.dma_semaphore, #tpu.memory_space<semaphore_mem>>
        %dma_start3A = tpu.memref_slice %arg21[%mul3A_0] : memref<10240xf32, #tpu.memory_space<vmem_shared>> -> memref<640xf32, #tpu.memory_space<vmem_shared>>
        %dma_start3A_200 = tpu.memref_slice %arg21[%mul3A_0] : memref<10240xf32, #tpu.memory_space<vmem_shared>> -> memref<640xf32, #tpu.memory_space<vmem_shared>>
        tpu.enqueue_dma source(%arg16 : memref<640xf32, #tpu.memory_space<vmem>>) target(%dma_start3A_200 : memref<640xf32, #tpu.memory_space<vmem_shared>>) target_semaphore(%run_scoped3A : memref<!tpu.dma_semaphore, #tpu.memory_space<semaphore_mem>>)
        %dma_wait3A_201 = tpu.memref_slice %arg21[%mul3A_0] : memref<10240xf32, #tpu.memory_space<vmem_shared>> -> memref<640xf32, #tpu.memory_space<vmem_shared>>
        %dma_wait3A_202 = tpu.memref_slice %arg21[%mul3A_0] : memref<10240xf32, #tpu.memory_space<vmem_shared>> -> memref<640xf32, #tpu.memory_space<vmem_shared>>
        tpu.wait_dma2 semaphore(%run_scoped3A : memref<!tpu.dma_semaphore, #tpu.memory_space<semaphore_mem>>) src(%arg16 : memref<640xf32, #tpu.memory_space<vmem>>) dst(%dma_wait3A_202 : memref<640xf32, #tpu.memory_space<vmem_shared>>)
        tpu.yield
      }) : () -> ()
      "tpu.region"() ({
        %run_scoped3A = tpu.sem_alloc : memref<!tpu.dma_semaphore, #tpu.memory_space<semaphore_mem>>
        %dma_start3A = tpu.memref_slice %arg22[%mul3A_0] : memref<10240xf32, #tpu.memory_space<vmem_shared>> -> memref<640xf32, #tpu.memory_space<vmem_shared>>
        %dma_start3A_200 = tpu.memref_slice %arg22[%mul3A_0] : memref<10240xf32, #tpu.memory_space<vmem_shared>> -> memref<640xf32, #tpu.memory_space<vmem_shared>>
        tpu.enqueue_dma source(%arg16 : memref<640xf32, #tpu.memory_space<vmem>>) target(%dma_start3A_200 : memref<640xf32, #tpu.memory_space<vmem_shared>>) target_semaphore(%run_scoped3A : memref<!tpu.dma_semaphore, #tpu.memory_space<semaphore_mem>>)
        %dma_wait3A_201 = tpu.memref_slice %arg22[%mul3A_0] : memref<10240xf32, #tpu.memory_space<vmem_shared>> -> memref<640xf32, #tpu.memory_space<vmem_shared>>
        %dma_wait3A_202 = tpu.memref_slice %arg22[%mul3A_0] : memref<10240xf32, #tpu.memory_space<vmem_shared>> -> memref<640xf32, #tpu.memory_space<vmem_shared>>
        tpu.wait_dma2 semaphore(%run_scoped3A : memref<!tpu.dma_semaphore, #tpu.memory_space<semaphore_mem>>) src(%arg16 : memref<640xf32, #tpu.memory_space<vmem>>) dst(%dma_wait3A_202 : memref<640xf32, #tpu.memory_space<vmem_shared>>)
        tpu.yield
      }) : () -> ()
      %mul3A_25 = arith.constant 2 : i32
      %mul3A_26 = arith.muli %add3A, %mul3A_25 : i32
      %mul3A_27 = arith.constant 160000 : i32
      %mul3A_28 = arith.muli %mul3A_26, %mul3A_27 : i32
      %mul3A_29 = arith.constant 10000 : i32
      %mul3A_30 = arith.muli %arg1, %mul3A_29 : i32
      %add3A_31 = arith.addi %mul3A_28, %mul3A_30 : i32
      "tpu.region"() ({
        %run_scoped3A = tpu.sem_alloc : memref<!tpu.dma_semaphore, #tpu.memory_space<semaphore_mem>>
        %dma_start3A = tpu.memref_slice %arg3[%add3A_31] : memref<1280000xi32, #tpu.memory_space<hbm>> -> memref<10000xi32, #tpu.memory_space<hbm>>
        %dma_start3A_200 = tpu.memref_slice %arg3[%add3A_31] : memref<1280000xi32, #tpu.memory_space<hbm>> -> memref<10000xi32, #tpu.memory_space<hbm>>
        tpu.enqueue_dma source(%dma_start3A_200 : memref<10000xi32, #tpu.memory_space<hbm>>) target(%arg5 : memref<10000xi32, #tpu.memory_space<vmem>>) target_semaphore(%run_scoped3A : memref<!tpu.dma_semaphore, #tpu.memory_space<semaphore_mem>>)
        %dma_wait3A_201 = tpu.memref_slice %arg3[%add3A_31] : memref<1280000xi32, #tpu.memory_space<hbm>> -> memref<10000xi32, #tpu.memory_space<hbm>>
        %dma_wait3A_202 = tpu.memref_slice %arg3[%add3A_31] : memref<1280000xi32, #tpu.memory_space<hbm>> -> memref<10000xi32, #tpu.memory_space<hbm>>
        tpu.wait_dma2 semaphore(%run_scoped3A : memref<!tpu.dma_semaphore, #tpu.memory_space<semaphore_mem>>) src(%dma_wait3A_202 : memref<10000xi32, #tpu.memory_space<hbm>>) dst(%arg5 : memref<10000xi32, #tpu.memory_space<vmem>>)
        tpu.yield
      }) : () -> ()
      %mul3A_32 = arith.constant 2 : i32
      %mul3A_33 = arith.muli %add3A, %mul3A_32 : i32
      %add3A_34 = arith.constant 1 : i32
      %add3A_35 = arith.addi %mul3A_33, %add3A_34 : i32
      %mul3A_36 = arith.constant 160000 : i32
      %mul3A_37 = arith.muli %add3A_35, %mul3A_36 : i32
      %mul3A_38 = arith.constant 10000 : i32
      %mul3A_39 = arith.muli %arg1, %mul3A_38 : i32
      %add3A_40 = arith.addi %mul3A_37, %mul3A_39 : i32
      "tpu.region"() ({
        %run_scoped3A = tpu.sem_alloc : memref<!tpu.dma_semaphore, #tpu.memory_space<semaphore_mem>>
        %dma_start3A = tpu.memref_slice %arg3[%add3A_40] : memref<1280000xi32, #tpu.memory_space<hbm>> -> memref<10000xi32, #tpu.memory_space<hbm>>
        %dma_start3A_200 = tpu.memref_slice %arg3[%add3A_40] : memref<1280000xi32, #tpu.memory_space<hbm>> -> memref<10000xi32, #tpu.memory_space<hbm>>
        tpu.enqueue_dma source(%dma_start3A_200 : memref<10000xi32, #tpu.memory_space<hbm>>) target(%arg6 : memref<10000xi32, #tpu.memory_space<vmem>>) target_semaphore(%run_scoped3A : memref<!tpu.dma_semaphore, #tpu.memory_space<semaphore_mem>>)
        %dma_wait3A_201 = tpu.memref_slice %arg3[%add3A_40] : memref<1280000xi32, #tpu.memory_space<hbm>> -> memref<10000xi32, #tpu.memory_space<hbm>>
        %dma_wait3A_202 = tpu.memref_slice %arg3[%add3A_40] : memref<1280000xi32, #tpu.memory_space<hbm>> -> memref<10000xi32, #tpu.memory_space<hbm>>
        tpu.wait_dma2 semaphore(%run_scoped3A : memref<!tpu.dma_semaphore, #tpu.memory_space<semaphore_mem>>) src(%dma_wait3A_202 : memref<10000xi32, #tpu.memory_space<hbm>>) dst(%arg6 : memref<10000xi32, #tpu.memory_space<vmem>>)
        tpu.yield
      }) : () -> ()
      %mul3A_41 = arith.constant 10240 : i32
      %mul3A_42 = arith.muli %add3A, %mul3A_41 : i32
      %add3A_43 = arith.addi %mul3A_42, %mul3A_0 : i32
      "tpu.region"() ({
        %run_scoped3A = tpu.sem_alloc : memref<!tpu.dma_semaphore, #tpu.memory_space<semaphore_mem>>
        %dma_start3A = tpu.memref_slice %arg2[%add3A_43] : memref<40960xf32, #tpu.memory_space<hbm>> -> memref<640xf32, #tpu.memory_space<hbm>>
        %dma_start3A_200 = tpu.memref_slice %arg2[%add3A_43] : memref<40960xf32, #tpu.memory_space<hbm>> -> memref<640xf32, #tpu.memory_space<hbm>>
        tpu.enqueue_dma source(%dma_start3A_200 : memref<640xf32, #tpu.memory_space<hbm>>) target(%arg10 : memref<640xf32, #tpu.memory_space<vmem>>) target_semaphore(%run_scoped3A : memref<!tpu.dma_semaphore, #tpu.memory_space<semaphore_mem>>)
        %dma_wait3A_201 = tpu.memref_slice %arg2[%add3A_43] : memref<40960xf32, #tpu.memory_space<hbm>> -> memref<640xf32, #tpu.memory_space<hbm>>
        %dma_wait3A_202 = tpu.memref_slice %arg2[%add3A_43] : memref<40960xf32, #tpu.memory_space<hbm>> -> memref<640xf32, #tpu.memory_space<hbm>>
        tpu.wait_dma2 semaphore(%run_scoped3A : memref<!tpu.dma_semaphore, #tpu.memory_space<semaphore_mem>>) src(%dma_wait3A_202 : memref<640xf32, #tpu.memory_space<hbm>>) dst(%arg10 : memref<640xf32, #tpu.memory_space<vmem>>)
        tpu.yield
      }) : () -> ()
      %broadcast_in_dim3A = arith.constant 2147483647 : i32
      %broadcast_in_dim3A_44 = vector.broadcast %broadcast_in_dim3A : i32 to vector<16xi32>
      %scan3A_45 = arith.constant 0 : i32
      %scan3A_46 = arith.constant 625 : i32
      %scan3A_47 = arith.addi %scan3A_45, %scan3A_46 : i32
      %scan3A_48 = arith.constant 1 : i32
      %scan3A_49 = scf.for %scan3A_200 = %scan3A_45 to %scan3A_47 step %scan3A_48 iter_args(%scan3A_201 = %broadcast_in_dim3A_44) -> (vector<16xi32>)  : i32 {
        %mul3A_202 = arith.constant 16 : i32
        %mul3A_203 = arith.muli %scan3A_200, %mul3A_202 : i32
        %get3A_204 = arith.index_cast %mul3A_203 : i32 to index
        %get3A_205 = tpu.vector_load %arg5[%get3A_204] {strides = array<i32>} : memref<10000xi32, #tpu.memory_space<vmem>>, vector<16xi32>,
        %get3A_206 = arith.index_cast %mul3A_203 : i32 to index
        %get3A_207 = tpu.vector_load %arg6[%get3A_206] {strides = array<i32>} : memref<10000xi32, #tpu.memory_space<vmem>>, vector<16xi32>,
        %min3A_208 = arith.minsi %get3A_205, %get3A_207 : vector<16xi32>
        %min3A_209 = arith.minsi %scan3A_201, %min3A_208 : vector<16xi32>
        scf.yield %min3A_209 : vector<16xi32>
      }
      %scan3A_50 = arith.constant 625 : i32
      %swap3A = arith.constant 0 : index
      %swap3A_51 = tpu.vector_load %arg17[%swap3A] {strides = array<i32>} : memref<16xi32, #tpu.memory_space<vmem>>, vector<16xi32>,
      tpu.vector_store %arg17[%swap3A], %scan3A_49 {strides = array<i32>} : memref<16xi32, #tpu.memory_space<vmem>>, vector<16xi32>,
      "tpu.region"() ({
        %run_scoped3A = tpu.sem_alloc : memref<!tpu.dma_semaphore, #tpu.memory_space<semaphore_mem>>
        %dma_start3A = arith.constant 0 : i32
        %dma_start3A_200 = tpu.memref_slice %arg20[%arg1, %dma_start3A] : memref<16x16xi32, #tpu.memory_space<vmem_shared>> -> memref<1x16xi32, #tpu.memory_space<vmem_shared>>
        %dma_start3A_201 = tpu.memref_squeeze %dma_start3A_200 : memref<1x16xi32, #tpu.memory_space<vmem_shared>> -> memref<16xi32, #tpu.memory_space<vmem_shared>>
        %dma_start3A_202 = arith.constant 0 : i32
        %dma_start3A_203 = tpu.memref_slice %arg20[%arg1, %dma_start3A_202] : memref<16x16xi32, #tpu.memory_space<vmem_shared>> -> memref<1x16xi32, #tpu.memory_space<vmem_shared>>
        %dma_start3A_204 = tpu.memref_squeeze %dma_start3A_203 : memref<1x16xi32, #tpu.memory_space<vmem_shared>> -> memref<16xi32, #tpu.memory_space<vmem_shared>>
        tpu.enqueue_dma source(%arg17 : memref<16xi32, #tpu.memory_space<vmem>>) target(%dma_start3A_204 : memref<16xi32, #tpu.memory_space<vmem_shared>>) target_semaphore(%run_scoped3A : memref<!tpu.dma_semaphore, #tpu.memory_space<semaphore_mem>>)
        %dma_wait3A_205 = arith.constant 0 : i32
        %dma_wait3A_206 = tpu.memref_slice %arg20[%arg1, %dma_wait3A_205] : memref<16x16xi32, #tpu.memory_space<vmem_shared>> -> memref<1x16xi32, #tpu.memory_space<vmem_shared>>
        %dma_wait3A_207 = tpu.memref_squeeze %dma_wait3A_206 : memref<1x16xi32, #tpu.memory_space<vmem_shared>> -> memref<16xi32, #tpu.memory_space<vmem_shared>>
        %dma_wait3A_208 = arith.constant 0 : i32
        %dma_wait3A_209 = tpu.memref_slice %arg20[%arg1, %dma_wait3A_208] : memref<16x16xi32, #tpu.memory_space<vmem_shared>> -> memref<1x16xi32, #tpu.memory_space<vmem_shared>>
        %dma_wait3A_210 = tpu.memref_squeeze %dma_wait3A_209 : memref<1x16xi32, #tpu.memory_space<vmem_shared>> -> memref<16xi32, #tpu.memory_space<vmem_shared>>
        tpu.wait_dma2 semaphore(%run_scoped3A : memref<!tpu.dma_semaphore, #tpu.memory_space<semaphore_mem>>) src(%arg17 : memref<16xi32, #tpu.memory_space<vmem>>) dst(%dma_wait3A_210 : memref<16xi32, #tpu.memory_space<vmem_shared>>)
        tpu.yield
      }) : () -> ()
      %barrier3A = arith.constant 0 : index
      tpu.barrier barrier_id(%barrier3A)
      "tpu.region"() ({
        %run_scoped3A = tpu.sem_alloc : memref<!tpu.dma_semaphore, #tpu.memory_space<semaphore_mem>>
        tpu.enqueue_dma source(%arg20 : memref<16x16xi32, #tpu.memory_space<vmem_shared>>) target(%arg18 : memref<16x16xi32, #tpu.memory_space<vmem>>) target_semaphore(%run_scoped3A : memref<!tpu.dma_semaphore, #tpu.memory_space<semaphore_mem>>)
        tpu.wait_dma2 semaphore(%run_scoped3A : memref<!tpu.dma_semaphore, #tpu.memory_space<semaphore_mem>>) src(%arg20 : memref<16x16xi32, #tpu.memory_space<vmem_shared>>) dst(%arg18 : memref<16x16xi32, #tpu.memory_space<vmem>>)
        tpu.yield
      }) : () -> ()
      %get3A = arith.constant 0 : i32
      %get3A_52 = arith.index_cast %get3A : i32 to index
      %get3A_53 = arith.constant 0 : index
      %get3A_54 = tpu.vector_load %arg18[%get3A_52, %get3A_53] {strides = array<i32>} : memref<16x16xi32, #tpu.memory_space<vmem>>, vector<16xi32>,
      %get3A_55 = arith.constant 1 : i32
      %get3A_56 = arith.index_cast %get3A_55 : i32 to index
      %get3A_57 = arith.constant 0 : index
      %get3A_58 = tpu.vector_load %arg18[%get3A_56, %get3A_57] {strides = array<i32>} : memref<16x16xi32, #tpu.memory_space<vmem>>, vector<16xi32>,
      %min3A = arith.minsi %get3A_54, %get3A_58 : vector<16xi32>
      %get3A_59 = arith.constant 2 : i32
      %get3A_60 = arith.index_cast %get3A_59 : i32 to index
      %get3A_61 = arith.constant 0 : index
      %get3A_62 = tpu.vector_load %arg18[%get3A_60, %get3A_61] {strides = array<i32>} : memref<16x16xi32, #tpu.memory_space<vmem>>, vector<16xi32>,
      %min3A_63 = arith.minsi %min3A, %get3A_62 : vector<16xi32>
      %get3A_64 = arith.constant 3 : i32
      %get3A_65 = arith.index_cast %get3A_64 : i32 to index
      %get3A_66 = arith.constant 0 : index
      %get3A_67 = tpu.vector_load %arg18[%get3A_65, %get3A_66] {strides = array<i32>} : memref<16x16xi32, #tpu.memory_space<vmem>>, vector<16xi32>,
      %min3A_68 = arith.minsi %min3A_63, %get3A_67 : vector<16xi32>
      %get3A_69 = arith.constant 4 : i32
      %get3A_70 = arith.index_cast %get3A_69 : i32 to index
      %get3A_71 = arith.constant 0 : index
      %get3A_72 = tpu.vector_load %arg18[%get3A_70, %get3A_71] {strides = array<i32>} : memref<16x16xi32, #tpu.memory_space<vmem>>, vector<16xi32>,
      %min3A_73 = arith.minsi %min3A_68, %get3A_72 : vector<16xi32>
      %get3A_74 = arith.constant 5 : i32
      %get3A_75 = arith.index_cast %get3A_74 : i32 to index
      %get3A_76 = arith.constant 0 : index
      %get3A_77 = tpu.vector_load %arg18[%get3A_75, %get3A_76] {strides = array<i32>} : memref<16x16xi32, #tpu.memory_space<vmem>>, vector<16xi32>,
      %min3A_78 = arith.minsi %min3A_73, %get3A_77 : vector<16xi32>
      %get3A_79 = arith.constant 6 : i32
      %get3A_80 = arith.index_cast %get3A_79 : i32 to index
      %get3A_81 = arith.constant 0 : index
      %get3A_82 = tpu.vector_load %arg18[%get3A_80, %get3A_81] {strides = array<i32>} : memref<16x16xi32, #tpu.memory_space<vmem>>, vector<16xi32>,
      %min3A_83 = arith.minsi %min3A_78, %get3A_82 : vector<16xi32>
      %get3A_84 = arith.constant 7 : i32
      %get3A_85 = arith.index_cast %get3A_84 : i32 to index
      %get3A_86 = arith.constant 0 : index
      %get3A_87 = tpu.vector_load %arg18[%get3A_85, %get3A_86] {strides = array<i32>} : memref<16x16xi32, #tpu.memory_space<vmem>>, vector<16xi32>,
      %min3A_88 = arith.minsi %min3A_83, %get3A_87 : vector<16xi32>
      %get3A_89 = arith.constant 8 : i32
      %get3A_90 = arith.index_cast %get3A_89 : i32 to index
      %get3A_91 = arith.constant 0 : index
      %get3A_92 = tpu.vector_load %arg18[%get3A_90, %get3A_91] {strides = array<i32>} : memref<16x16xi32, #tpu.memory_space<vmem>>, vector<16xi32>,
      %min3A_93 = arith.minsi %min3A_88, %get3A_92 : vector<16xi32>
      %get3A_94 = arith.constant 9 : i32
      %get3A_95 = arith.index_cast %get3A_94 : i32 to index
      %get3A_96 = arith.constant 0 : index
      %get3A_97 = tpu.vector_load %arg18[%get3A_95, %get3A_96] {strides = array<i32>} : memref<16x16xi32, #tpu.memory_space<vmem>>, vector<16xi32>,
      %min3A_98 = arith.minsi %min3A_93, %get3A_97 : vector<16xi32>
      %get3A_99 = arith.constant 10 : i32
      %get3A_100 = arith.index_cast %get3A_99 : i32 to index
      %get3A_101 = arith.constant 0 : index
      %get3A_102 = tpu.vector_load %arg18[%get3A_100, %get3A_101] {strides = array<i32>} : memref<16x16xi32, #tpu.memory_space<vmem>>, vector<16xi32>,
      %min3A_103 = arith.minsi %min3A_98, %get3A_102 : vector<16xi32>
      %get3A_104 = arith.constant 11 : i32
      %get3A_105 = arith.index_cast %get3A_104 : i32 to index
      %get3A_106 = arith.constant 0 : index
      %get3A_107 = tpu.vector_load %arg18[%get3A_105, %get3A_106] {strides = array<i32>} : memref<16x16xi32, #tpu.memory_space<vmem>>, vector<16xi32>,
      %min3A_108 = arith.minsi %min3A_103, %get3A_107 : vector<16xi32>
      %get3A_109 = arith.constant 12 : i32
      %get3A_110 = arith.index_cast %get3A_109 : i32 to index
      %get3A_111 = arith.constant 0 : index
      %get3A_112 = tpu.vector_load %arg18[%get3A_110, %get3A_111] {strides = array<i32>} : memref<16x16xi32, #tpu.memory_space<vmem>>, vector<16xi32>,
      %min3A_113 = arith.minsi %min3A_108, %get3A_112 : vector<16xi32>
      %get3A_114 = arith.constant 13 : i32
      %get3A_115 = arith.index_cast %get3A_114 : i32 to index
      %get3A_116 = arith.constant 0 : index
      %get3A_117 = tpu.vector_load %arg18[%get3A_115, %get3A_116] {strides = array<i32>} : memref<16x16xi32, #tpu.memory_space<vmem>>, vector<16xi32>,
      %min3A_118 = arith.minsi %min3A_113, %get3A_117 : vector<16xi32>
      %get3A_119 = arith.constant 14 : i32
      %get3A_120 = arith.index_cast %get3A_119 : i32 to index
      %get3A_121 = arith.constant 0 : index
      %get3A_122 = tpu.vector_load %arg18[%get3A_120, %get3A_121] {strides = array<i32>} : memref<16x16xi32, #tpu.memory_space<vmem>>, vector<16xi32>,
      %min3A_123 = arith.minsi %min3A_118, %get3A_122 : vector<16xi32>
      %get3A_124 = arith.constant 15 : i32
      %get3A_125 = arith.index_cast %get3A_124 : i32 to index
      %get3A_126 = arith.constant 0 : index
      %get3A_127 = tpu.vector_load %arg18[%get3A_125, %get3A_126] {strides = array<i32>} : memref<16x16xi32, #tpu.memory_space<vmem>>, vector<16xi32>,
      %min3A_128 = arith.minsi %min3A_123, %get3A_127 : vector<16xi32>
      %iota3A = tpu.iota {dimensions = array<i32: 0>} : vector<16xi32>
      %xor3A = arith.constant 8 : i32
      %xor3A_129 = vector.broadcast %xor3A : i32 to vector<16xi32>
      %xor3A_130 = arith.xori %iota3A, %xor3A_129 : vector<16xi32>
      %broadcast_in_dim3A_131 = vector.shape_cast %xor3A_130 : vector<16xi32> to vector<16x1xi32>
      %gather3A = vector.shape_cast %broadcast_in_dim3A_131 : vector<16x1xi32> to vector<16xi32>
      %gather3A_132 = tpu.dynamic_gather %min3A_128[%gather3A] in [0] : vector<16xi32>, vector<16xi32> -> vector<16xi32>
      %min3A_133 = arith.minsi %min3A_128, %gather3A_132 : vector<16xi32>
      %iota3A_134 = tpu.iota {dimensions = array<i32: 0>} : vector<16xi32>
      %xor3A_135 = arith.constant 4 : i32
      %xor3A_136 = vector.broadcast %xor3A_135 : i32 to vector<16xi32>
      %xor3A_137 = arith.xori %iota3A_134, %xor3A_136 : vector<16xi32>
      %broadcast_in_dim3A_138 = vector.shape_cast %xor3A_137 : vector<16xi32> to vector<16x1xi32>
      %gather3A_139 = vector.shape_cast %broadcast_in_dim3A_138 : vector<16x1xi32> to vector<16xi32>
      %gather3A_140 = tpu.dynamic_gather %min3A_133[%gather3A_139] in [0] : vector<16xi32>, vector<16xi32> -> vector<16xi32>
      %min3A_141 = arith.minsi %min3A_133, %gather3A_140 : vector<16xi32>
      %iota3A_142 = tpu.iota {dimensions = array<i32: 0>} : vector<16xi32>
      %xor3A_143 = arith.constant 2 : i32
      %xor3A_144 = vector.broadcast %xor3A_143 : i32 to vector<16xi32>
      %xor3A_145 = arith.xori %iota3A_142, %xor3A_144 : vector<16xi32>
      %broadcast_in_dim3A_146 = vector.shape_cast %xor3A_145 : vector<16xi32> to vector<16x1xi32>
      %gather3A_147 = vector.shape_cast %broadcast_in_dim3A_146 : vector<16x1xi32> to vector<16xi32>
      %gather3A_148 = tpu.dynamic_gather %min3A_141[%gather3A_147] in [0] : vector<16xi32>, vector<16xi32> -> vector<16xi32>
      %min3A_149 = arith.minsi %min3A_141, %gather3A_148 : vector<16xi32>
      %iota3A_150 = tpu.iota {dimensions = array<i32: 0>} : vector<16xi32>
      %xor3A_151 = arith.constant 1 : i32
      %xor3A_152 = vector.broadcast %xor3A_151 : i32 to vector<16xi32>
      %xor3A_153 = arith.xori %iota3A_150, %xor3A_152 : vector<16xi32>
      %broadcast_in_dim3A_154 = vector.shape_cast %xor3A_153 : vector<16xi32> to vector<16x1xi32>
      %gather3A_155 = vector.shape_cast %broadcast_in_dim3A_154 : vector<16x1xi32> to vector<16xi32>
      %gather3A_156 = tpu.dynamic_gather %min3A_149[%gather3A_155] in [0] : vector<16xi32>, vector<16xi32> -> vector<16xi32>
      %min3A_157 = arith.minsi %min3A_149, %gather3A_156 : vector<16xi32>
      %scan3A_158 = arith.constant 0 : i32
      %scan3A_159 = arith.constant 0 : i32
      %scan3A_160 = arith.constant 125 : i32
      %scan3A_161 = arith.addi %scan3A_159, %scan3A_160 : i32
      %scan3A_162 = arith.constant 1 : i32
      %scan3A_163 = scf.for %scan3A_200 = %scan3A_159 to %scan3A_161 step %scan3A_162 iter_args(%scan3A_201 = %scan3A_158) -> (i32)  : i32 {
        %mul3A_202 = arith.constant 80 : i32
        %mul3A_203 = arith.muli %scan3A_200, %mul3A_202 : i32
        %add3A_204 = arith.constant 0 : i32
        %add3A_205 = arith.addi %mul3A_203, %add3A_204 : i32
        %get3A_206 = arith.index_cast %add3A_205 : i32 to index
        %get3A_207 = tpu.vector_load %arg6[%get3A_206] {strides = array<i32>} : memref<10000xi32, #tpu.memory_space<vmem>>, vector<16xi32>,
        %sub3A = arith.subi %get3A_207, %min3A_157 : vector<16xi32>
        %swap3A_208 = arith.index_cast %scan3A_200 : i32 to index
        %swap3A_209 = arith.constant 0 : index
        %swap3A_210 = tpu.vector_load %arg7[%swap3A_208, %swap3A_209] {strides = array<i32>} : memref<125x80xi32, #tpu.memory_space<vmem>>, vector<16xi32>,
        tpu.vector_store %arg7[%swap3A_208, %swap3A_209], %sub3A {strides = array<i32>} : memref<125x80xi32, #tpu.memory_space<vmem>>, vector<16xi32>,
        %mul3A_211 = arith.constant 80 : i32
        %mul3A_212 = arith.muli %scan3A_200, %mul3A_211 : i32
        %add3A_213 = arith.constant 16 : i32
        %add3A_214 = arith.addi %mul3A_212, %add3A_213 : i32
        %get3A_215 = arith.index_cast %add3A_214 : i32 to index
        %get3A_216 = tpu.vector_load %arg6[%get3A_215] {strides = array<i32>} : memref<10000xi32, #tpu.memory_space<vmem>>, vector<16xi32>,
        %sub3A_217 = arith.subi %get3A_216, %min3A_157 : vector<16xi32>
        %swap3A_218 = arith.index_cast %scan3A_200 : i32 to index
        %swap3A_219 = arith.constant 16 : index
        %swap3A_220 = tpu.vector_load %arg7[%swap3A_218, %swap3A_219] {strides = array<i32>} : memref<125x80xi32, #tpu.memory_space<vmem>>, vector<16xi32>,
        tpu.vector_store %arg7[%swap3A_218, %swap3A_219], %sub3A_217 {strides = array<i32>} : memref<125x80xi32, #tpu.memory_space<vmem>>, vector<16xi32>,
        %mul3A_221 = arith.constant 80 : i32
        %mul3A_222 = arith.muli %scan3A_200, %mul3A_221 : i32
        %add3A_223 = arith.constant 32 : i32
        %add3A_224 = arith.addi %mul3A_222, %add3A_223 : i32
        %get3A_225 = arith.index_cast %add3A_224 : i32 to index
        %get3A_226 = tpu.vector_load %arg6[%get3A_225] {strides = array<i32>} : memref<10000xi32, #tpu.memory_space<vmem>>, vector<16xi32>,
        %sub3A_227 = arith.subi %get3A_226, %min3A_157 : vector<16xi32>
        %swap3A_228 = arith.index_cast %scan3A_200 : i32 to index
        %swap3A_229 = arith.constant 32 : index
        %swap3A_230 = tpu.vector_load %arg7[%swap3A_228, %swap3A_229] {strides = array<i32>} : memref<125x80xi32, #tpu.memory_space<vmem>>, vector<16xi32>,
        tpu.vector_store %arg7[%swap3A_228, %swap3A_229], %sub3A_227 {strides = array<i32>} : memref<125x80xi32, #tpu.memory_space<vmem>>, vector<16xi32>,
        %mul3A_231 = arith.constant 80 : i32
        %mul3A_232 = arith.muli %scan3A_200, %mul3A_231 : i32
        %add3A_233 = arith.constant 48 : i32
        %add3A_234 = arith.addi %mul3A_232, %add3A_233 : i32
        %get3A_235 = arith.index_cast %add3A_234 : i32 to index
        %get3A_236 = tpu.vector_load %arg6[%get3A_235] {strides = array<i32>} : memref<10000xi32, #tpu.memory_space<vmem>>, vector<16xi32>,
        %sub3A_237 = arith.subi %get3A_236, %min3A_157 : vector<16xi32>
        %swap3A_238 = arith.index_cast %scan3A_200 : i32 to index
        %swap3A_239 = arith.constant 48 : index
        %swap3A_240 = tpu.vector_load %arg7[%swap3A_238, %swap3A_239] {strides = array<i32>} : memref<125x80xi32, #tpu.memory_space<vmem>>, vector<16xi32>,
        tpu.vector_store %arg7[%swap3A_238, %swap3A_239], %sub3A_237 {strides = array<i32>} : memref<125x80xi32, #tpu.memory_space<vmem>>, vector<16xi32>,
        %mul3A_241 = arith.constant 80 : i32
        %mul3A_242 = arith.muli %scan3A_200, %mul3A_241 : i32
        %add3A_243 = arith.constant 64 : i32
        %add3A_244 = arith.addi %mul3A_242, %add3A_243 : i32
        %get3A_245 = arith.index_cast %add3A_244 : i32 to index
        %get3A_246 = tpu.vector_load %arg6[%get3A_245] {strides = array<i32>} : memref<10000xi32, #tpu.memory_space<vmem>>, vector<16xi32>,
        %sub3A_247 = arith.subi %get3A_246, %min3A_157 : vector<16xi32>
        %swap3A_248 = arith.index_cast %scan3A_200 : i32 to index
        %swap3A_249 = arith.constant 64 : index
        %swap3A_250 = tpu.vector_load %arg7[%swap3A_248, %swap3A_249] {strides = array<i32>} : memref<125x80xi32, #tpu.memory_space<vmem>>, vector<16xi32>,
        tpu.vector_store %arg7[%swap3A_248, %swap3A_249], %sub3A_247 {strides = array<i32>} : memref<125x80xi32, #tpu.memory_space<vmem>>, vector<16xi32>,
        %dma_start3A = arith.constant 0 : i32
        %dma_start3A_251 = tpu.memref_slice %arg7[%scan3A_200, %dma_start3A] : memref<125x80xi32, #tpu.memory_space<vmem>> -> memref<1x80xi32, #tpu.memory_space<vmem>>
        %dma_start3A_252 = tpu.memref_squeeze %dma_start3A_251 : memref<1x80xi32, #tpu.memory_space<vmem>> -> memref<80xi32, #tpu.memory_space<vmem>>
        %dma_start3A_253 = arith.constant 0 : i32
        %dma_start3A_254 = tpu.memref_slice %arg21[%dma_start3A_253] : memref<10240xf32, #tpu.memory_space<vmem_shared>> -> memref<10240xf32, #tpu.memory_space<vmem_shared>>
        tpu.enqueue_indirect_dma source(%arg8 : memref<80xf32, #tpu.memory_space<vmem>>) target(%dma_start3A_254 : memref<10240xf32, #tpu.memory_space<vmem_shared>>) offsets(%dma_start3A_252 : memref<80xi32, #tpu.memory_space<vmem>>) semaphore(%arg24 : memref<!tpu.dma_semaphore, #tpu.memory_space<semaphore_mem>>) {add = true}
        %scan3A_255 = arith.constant 0 : i32
        scf.yield %scan3A_255 : i32
      }
      %scan3A_164 = arith.constant 125 : i32
      %dma_wait3A = arith.constant 0 : i32
      %dma_wait3A_165 = tpu.memref_slice %arg2[%dma_wait3A] : memref<40960xf32, #tpu.memory_space<hbm>> -> memref<10000xf32, #tpu.memory_space<hbm>>
      %dma_wait3A_166 = arith.constant 0 : i32
      %dma_wait3A_167 = tpu.memref_slice %arg2[%dma_wait3A_166] : memref<40960xf32, #tpu.memory_space<hbm>> -> memref<10000xf32, #tpu.memory_space<hbm>>
      tpu.wait_dma2 semaphore(%arg24 : memref<!tpu.dma_semaphore, #tpu.memory_space<semaphore_mem>>) src(%dma_wait3A_167 : memref<10000xf32, #tpu.memory_space<hbm>>) dst(%arg9 : memref<10000xf32, #tpu.memory_space<vmem>>)
      %barrier3A_168 = arith.constant 0 : index
      tpu.barrier barrier_id(%barrier3A_168)
      "tpu.region"() ({
        %run_scoped3A = tpu.sem_alloc : memref<!tpu.dma_semaphore, #tpu.memory_space<semaphore_mem>>
        %dma_start3A = tpu.memref_slice %arg21[%mul3A_0] : memref<10240xf32, #tpu.memory_space<vmem_shared>> -> memref<640xf32, #tpu.memory_space<vmem_shared>>
        %dma_start3A_200 = tpu.memref_slice %arg21[%mul3A_0] : memref<10240xf32, #tpu.memory_space<vmem_shared>> -> memref<640xf32, #tpu.memory_space<vmem_shared>>
        tpu.enqueue_dma source(%dma_start3A_200 : memref<640xf32, #tpu.memory_space<vmem_shared>>) target(%arg11 : memref<640xf32, #tpu.memory_space<vmem>>) target_semaphore(%run_scoped3A : memref<!tpu.dma_semaphore, #tpu.memory_space<semaphore_mem>>)
        %dma_wait3A_201 = tpu.memref_slice %arg21[%mul3A_0] : memref<10240xf32, #tpu.memory_space<vmem_shared>> -> memref<640xf32, #tpu.memory_space<vmem_shared>>
        %dma_wait3A_202 = tpu.memref_slice %arg21[%mul3A_0] : memref<10240xf32, #tpu.memory_space<vmem_shared>> -> memref<640xf32, #tpu.memory_space<vmem_shared>>
        tpu.wait_dma2 semaphore(%run_scoped3A : memref<!tpu.dma_semaphore, #tpu.memory_space<semaphore_mem>>) src(%dma_wait3A_202 : memref<640xf32, #tpu.memory_space<vmem_shared>>) dst(%arg11 : memref<640xf32, #tpu.memory_space<vmem>>)
        tpu.yield
      }) : () -> ()
      %scan3A_169 = arith.constant 0 : i32
      %scan3A_170 = arith.constant 0 : i32
      %scan3A_171 = arith.constant 40 : i32
      %scan3A_172 = arith.addi %scan3A_170, %scan3A_171 : i32
      %scan3A_173 = arith.constant 1 : i32
      %scan3A_174 = scf.for %scan3A_200 = %scan3A_170 to %scan3A_172 step %scan3A_173 iter_args(%scan3A_201 = %scan3A_169) -> (i32)  : i32 {
        %mul3A_202 = arith.constant 16 : i32
        %mul3A_203 = arith.muli %scan3A_200, %mul3A_202 : i32
        %get3A_204 = arith.index_cast %mul3A_203 : i32 to index
        %get3A_205 = tpu.vector_load %arg11[%get3A_204] {strides = array<i32>} : memref<640xf32, #tpu.memory_space<vmem>>, vector<16xf32>,
        %add3A_206 = arith.constant 1.000000e+00 : f32
        %add3A_207 = vector.broadcast %add3A_206 : f32 to vector<16xf32>
        %add3A_208 = arith.addf %get3A_205, %add3A_207 : vector<16xf32>
        %broadcast_in_dim3A_209 = arith.constant 5.000000e-01 : f32
        %broadcast_in_dim3A_210 = vector.broadcast %broadcast_in_dim3A_209 : f32 to vector<16xf32>
        %ge3A = arith.constant 4.000000e+00 : f32
        %ge3A_211 = vector.broadcast %ge3A : f32 to vector<16xf32>
        %ge3A_212 = arith.cmpf oge, %add3A_208, %ge3A_211 : vector<16xf32>
        %jit3A = arith.constant 2.500000e-01 : f32
        %broadcast_in_dim3A_213 = vector.broadcast %jit3A : f32 to vector<16xf32>
        %select_n3A = arith.select %ge3A_212, %broadcast_in_dim3A_213, %broadcast_in_dim3A_210 : vector<16xi1>, vector<16xf32>
        %ge3A_214 = arith.constant 1.600000e+01 : f32
        %ge3A_215 = vector.broadcast %ge3A_214 : f32 to vector<16xf32>
        %ge3A_216 = arith.cmpf oge, %add3A_208, %ge3A_215 : vector<16xf32>
        %jit3A_217 = arith.constant 1.250000e-01 : f32
        %broadcast_in_dim3A_218 = vector.broadcast %jit3A_217 : f32 to vector<16xf32>
        %select_n3A_219 = arith.select %ge3A_216, %broadcast_in_dim3A_218, %select_n3A : vector<16xi1>, vector<16xf32>
        %ge3A_220 = arith.constant 6.400000e+01 : f32
        %ge3A_221 = vector.broadcast %ge3A_220 : f32 to vector<16xf32>
        %ge3A_222 = arith.cmpf oge, %add3A_208, %ge3A_221 : vector<16xf32>
        %jit3A_223 = arith.constant 6.250000e-02 : f32
        %broadcast_in_dim3A_224 = vector.broadcast %jit3A_223 : f32 to vector<16xf32>
        %select_n3A_225 = arith.select %ge3A_222, %broadcast_in_dim3A_224, %select_n3A_219 : vector<16xi1>, vector<16xf32>
        %ge3A_226 = arith.constant 2.560000e+02 : f32
        %ge3A_227 = vector.broadcast %ge3A_226 : f32 to vector<16xf32>
        %ge3A_228 = arith.cmpf oge, %add3A_208, %ge3A_227 : vector<16xf32>
        %jit3A_229 = arith.constant 3.125000e-02 : f32
        %broadcast_in_dim3A_230 = vector.broadcast %jit3A_229 : f32 to vector<16xf32>
        %select_n3A_231 = arith.select %ge3A_228, %broadcast_in_dim3A_230, %select_n3A_225 : vector<16xi1>, vector<16xf32>
        %ge3A_232 = arith.constant 1.024000e+03 : f32
        %ge3A_233 = vector.broadcast %ge3A_232 : f32 to vector<16xf32>
        %ge3A_234 = arith.cmpf oge, %add3A_208, %ge3A_233 : vector<16xf32>
        %jit3A_235 = arith.constant 1.562500e-02 : f32
        %broadcast_in_dim3A_236 = vector.broadcast %jit3A_235 : f32 to vector<16xf32>
        %select_n3A_237 = arith.select %ge3A_234, %broadcast_in_dim3A_236, %select_n3A_231 : vector<16xi1>, vector<16xf32>
        %ge3A_238 = arith.constant 4.096000e+03 : f32
        %ge3A_239 = vector.broadcast %ge3A_238 : f32 to vector<16xf32>
        %ge3A_240 = arith.cmpf oge, %add3A_208, %ge3A_239 : vector<16xf32>
        %jit3A_241 = arith.constant 7.812500e-03 : f32
        %broadcast_in_dim3A_242 = vector.broadcast %jit3A_241 : f32 to vector<16xf32>
        %select_n3A_243 = arith.select %ge3A_240, %broadcast_in_dim3A_242, %select_n3A_237 : vector<16xi1>, vector<16xf32>
        %ge3A_244 = arith.constant 1.638400e+04 : f32
        %ge3A_245 = vector.broadcast %ge3A_244 : f32 to vector<16xf32>
        %ge3A_246 = arith.cmpf oge, %add3A_208, %ge3A_245 : vector<16xf32>
        %jit3A_247 = arith.constant 3.906250e-03 : f32
        %broadcast_in_dim3A_248 = vector.broadcast %jit3A_247 : f32 to vector<16xf32>
        %select_n3A_249 = arith.select %ge3A_246, %broadcast_in_dim3A_248, %select_n3A_243 : vector<16xi1>, vector<16xf32>
        %ge3A_250 = arith.constant 6.553600e+04 : f32
        %ge3A_251 = vector.broadcast %ge3A_250 : f32 to vector<16xf32>
        %ge3A_252 = arith.cmpf oge, %add3A_208, %ge3A_251 : vector<16xf32>
        %jit3A_253 = arith.constant 0.001953125 : f32
        %broadcast_in_dim3A_254 = vector.broadcast %jit3A_253 : f32 to vector<16xf32>
        %select_n3A_255 = arith.select %ge3A_252, %broadcast_in_dim3A_254, %select_n3A_249 : vector<16xi1>, vector<16xf32>
        %mul3A_256 = arith.constant 5.000000e-01 : f32
        %mul3A_257 = vector.broadcast %mul3A_256 : f32 to vector<16xf32>
        %mul3A_258 = arith.mulf %mul3A_257, %add3A_208 : vector<16xf32>
        %mul3A_259 = arith.mulf %mul3A_258, %select_n3A_255 : vector<16xf32>
        %mul3A_260 = arith.mulf %mul3A_259, %select_n3A_255 : vector<16xf32>
        %sub3A = arith.constant 1.500000e+00 : f32
        %sub3A_261 = vector.broadcast %sub3A : f32 to vector<16xf32>
        %sub3A_262 = arith.subf %sub3A_261, %mul3A_260 : vector<16xf32>
        %mul3A_263 = arith.mulf %select_n3A_255, %sub3A_262 : vector<16xf32>
        %mul3A_264 = arith.constant 5.000000e-01 : f32
        %mul3A_265 = vector.broadcast %mul3A_264 : f32 to vector<16xf32>
        %mul3A_266 = arith.mulf %mul3A_265, %add3A_208 : vector<16xf32>
        %mul3A_267 = arith.mulf %mul3A_266, %mul3A_263 : vector<16xf32>
        %mul3A_268 = arith.mulf %mul3A_267, %mul3A_263 : vector<16xf32>
        %sub3A_269 = arith.constant 1.500000e+00 : f32
        %sub3A_270 = vector.broadcast %sub3A_269 : f32 to vector<16xf32>
        %sub3A_271 = arith.subf %sub3A_270, %mul3A_268 : vector<16xf32>
        %mul3A_272 = arith.mulf %mul3A_263, %sub3A_271 : vector<16xf32>
        %mul3A_273 = arith.constant 5.000000e-01 : f32
        %mul3A_274 = vector.broadcast %mul3A_273 : f32 to vector<16xf32>
        %mul3A_275 = arith.mulf %mul3A_274, %add3A_208 : vector<16xf32>
        %mul3A_276 = arith.mulf %mul3A_275, %mul3A_272 : vector<16xf32>
        %mul3A_277 = arith.mulf %mul3A_276, %mul3A_272 : vector<16xf32>
        %sub3A_278 = arith.constant 1.500000e+00 : f32
        %sub3A_279 = vector.broadcast %sub3A_278 : f32 to vector<16xf32>
        %sub3A_280 = arith.subf %sub3A_279, %mul3A_277 : vector<16xf32>
        %mul3A_281 = arith.mulf %mul3A_272, %sub3A_280 : vector<16xf32>
        %mul3A_282 = arith.constant 5.000000e-01 : f32
        %mul3A_283 = vector.broadcast %mul3A_282 : f32 to vector<16xf32>
        %mul3A_284 = arith.mulf %mul3A_283, %add3A_208 : vector<16xf32>
        %mul3A_285 = arith.mulf %mul3A_284, %mul3A_281 : vector<16xf32>
        %mul3A_286 = arith.mulf %mul3A_285, %mul3A_281 : vector<16xf32>
        %sub3A_287 = arith.constant 1.500000e+00 : f32
        %sub3A_288 = vector.broadcast %sub3A_287 : f32 to vector<16xf32>
        %sub3A_289 = arith.subf %sub3A_288, %mul3A_286 : vector<16xf32>
        %mul3A_290 = arith.mulf %mul3A_281, %sub3A_289 : vector<16xf32>
        %mul3A_291 = arith.constant 5.000000e-01 : f32
        %mul3A_292 = vector.broadcast %mul3A_291 : f32 to vector<16xf32>
        %mul3A_293 = arith.mulf %mul3A_292, %add3A_208 : vector<16xf32>
        %mul3A_294 = arith.mulf %mul3A_293, %mul3A_290 : vector<16xf32>
        %mul3A_295 = arith.mulf %mul3A_294, %mul3A_290 : vector<16xf32>
        %sub3A_296 = arith.constant 1.500000e+00 : f32
        %sub3A_297 = vector.broadcast %sub3A_296 : f32 to vector<16xf32>
        %sub3A_298 = arith.subf %sub3A_297, %mul3A_295 : vector<16xf32>
        %mul3A_299 = arith.mulf %mul3A_290, %sub3A_298 : vector<16xf32>
        %mul3A_300 = arith.constant 5.000000e-01 : f32
        %mul3A_301 = vector.broadcast %mul3A_300 : f32 to vector<16xf32>
        %mul3A_302 = arith.mulf %mul3A_301, %add3A_208 : vector<16xf32>
        %mul3A_303 = arith.mulf %mul3A_302, %mul3A_299 : vector<16xf32>
        %mul3A_304 = arith.mulf %mul3A_303, %mul3A_299 : vector<16xf32>
        %sub3A_305 = arith.constant 1.500000e+00 : f32
        %sub3A_306 = vector.broadcast %sub3A_305 : f32 to vector<16xf32>
        %sub3A_307 = arith.subf %sub3A_306, %mul3A_304 : vector<16xf32>
        %mul3A_308 = arith.mulf %mul3A_299, %sub3A_307 : vector<16xf32>
        %swap3A_309 = arith.index_cast %mul3A_203 : i32 to index
        %swap3A_310 = tpu.vector_load %arg13[%swap3A_309] {strides = array<i32>} : memref<640xf32, #tpu.memory_space<vmem>>, vector<16xf32>,
        tpu.vector_store %arg13[%swap3A_309], %mul3A_308 {strides = array<i32>} : memref<640xf32, #tpu.memory_space<vmem>>, vector<16xf32>,
        %get3A_311 = arith.index_cast %mul3A_203 : i32 to index
        %get3A_312 = tpu.vector_load %arg10[%get3A_311] {strides = array<i32>} : memref<640xf32, #tpu.memory_space<vmem>>, vector<16xf32>,
        %mul3A_313 = arith.mulf %mul3A_308, %get3A_312 : vector<16xf32>
        %swap3A_314 = arith.index_cast %mul3A_203 : i32 to index
        %swap3A_315 = tpu.vector_load %arg12[%swap3A_314] {strides = array<i32>} : memref<640xf32, #tpu.memory_space<vmem>>, vector<16xf32>,
        tpu.vector_store %arg12[%swap3A_314], %mul3A_313 {strides = array<i32>} : memref<640xf32, #tpu.memory_space<vmem>>, vector<16xf32>,
        %scan3A_316 = arith.constant 0 : i32
        scf.yield %scan3A_316 : i32
      }
      %scan3A_175 = arith.constant 40 : i32
      "tpu.region"() ({
        %run_scoped3A = tpu.sem_alloc : memref<!tpu.dma_semaphore, #tpu.memory_space<semaphore_mem>>
        %dma_start3A = tpu.memref_slice %arg23[%mul3A_0] : memref<10240xf32, #tpu.memory_space<vmem_shared>> -> memref<640xf32, #tpu.memory_space<vmem_shared>>
        %dma_start3A_200 = tpu.memref_slice %arg23[%mul3A_0] : memref<10240xf32, #tpu.memory_space<vmem_shared>> -> memref<640xf32, #tpu.memory_space<vmem_shared>>
        tpu.enqueue_dma source(%arg12 : memref<640xf32, #tpu.memory_space<vmem>>) target(%dma_start3A_200 : memref<640xf32, #tpu.memory_space<vmem_shared>>) target_semaphore(%run_scoped3A : memref<!tpu.dma_semaphore, #tpu.memory_space<semaphore_mem>>)
        %dma_wait3A_201 = tpu.memref_slice %arg23[%mul3A_0] : memref<10240xf32, #tpu.memory_space<vmem_shared>> -> memref<640xf32, #tpu.memory_space<vmem_shared>>
        %dma_wait3A_202 = tpu.memref_slice %arg23[%mul3A_0] : memref<10240xf32, #tpu.memory_space<vmem_shared>> -> memref<640xf32, #tpu.memory_space<vmem_shared>>
        tpu.wait_dma2 semaphore(%run_scoped3A : memref<!tpu.dma_semaphore, #tpu.memory_space<semaphore_mem>>) src(%arg12 : memref<640xf32, #tpu.memory_space<vmem>>) dst(%dma_wait3A_202 : memref<640xf32, #tpu.memory_space<vmem_shared>>)
        tpu.yield
      }) : () -> ()
      %barrier3A_176 = arith.constant 0 : index
      tpu.barrier barrier_id(%barrier3A_176)
      "tpu.region"() ({
        %run_scoped3A = tpu.sem_alloc : memref<!tpu.dma_semaphore, #tpu.memory_space<semaphore_mem>>
        tpu.enqueue_dma source(%arg23 : memref<10240xf32, #tpu.memory_space<vmem_shared>>) target(%arg19 : memref<10240xf32, #tpu.memory_space<vmem>>) target_semaphore(%run_scoped3A : memref<!tpu.dma_semaphore, #tpu.memory_space<semaphore_mem>>)
        tpu.wait_dma2 semaphore(%run_scoped3A : memref<!tpu.dma_semaphore, #tpu.memory_space<semaphore_mem>>) src(%arg23 : memref<10240xf32, #tpu.memory_space<vmem_shared>>) dst(%arg19 : memref<10240xf32, #tpu.memory_space<vmem>>)
        tpu.yield
      }) : () -> ()
      %scan3A_177 = arith.constant 0 : i32
      %scan3A_178 = arith.constant 0 : i32
      %scan3A_179 = arith.constant 125 : i32
      %scan3A_180 = arith.addi %scan3A_178, %scan3A_179 : i32
      %scan3A_181 = arith.constant 1 : i32
      %scan3A_182 = scf.for %scan3A_200 = %scan3A_178 to %scan3A_180 step %scan3A_181 iter_args(%scan3A_201 = %scan3A_177) -> (i32)  : i32 {
        %mul3A_202 = arith.constant 80 : i32
        %mul3A_203 = arith.muli %scan3A_200, %mul3A_202 : i32
        %add3A_204 = arith.constant 0 : i32
        %add3A_205 = arith.addi %mul3A_203, %add3A_204 : i32
        %get3A_206 = arith.index_cast %add3A_205 : i32 to index
        %get3A_207 = tpu.vector_load %arg5[%get3A_206] {strides = array<i32>} : memref<10000xi32, #tpu.memory_space<vmem>>, vector<16xi32>,
        %sub3A = arith.subi %get3A_207, %min3A_157 : vector<16xi32>
        %gather3A_208 = tpu.vector_load_idx %arg19[%sub3A] : memref<10240xf32, #tpu.memory_space<vmem>>[vector<16xi32>], vector<16xf32>,
        %swap3A_209 = arith.index_cast %add3A_205 : i32 to index
        %swap3A_210 = tpu.vector_load %arg9[%swap3A_209] {strides = array<i32>} : memref<10000xf32, #tpu.memory_space<vmem>>, vector<16xf32>,
        tpu.vector_store %arg9[%swap3A_209], %gather3A_208 {strides = array<i32>} : memref<10000xf32, #tpu.memory_space<vmem>>, vector<16xf32>,
        %mul3A_211 = arith.constant 80 : i32
        %mul3A_212 = arith.muli %scan3A_200, %mul3A_211 : i32
        %add3A_213 = arith.constant 16 : i32
        %add3A_214 = arith.addi %mul3A_212, %add3A_213 : i32
        %get3A_215 = arith.index_cast %add3A_214 : i32 to index
        %get3A_216 = tpu.vector_load %arg5[%get3A_215] {strides = array<i32>} : memref<10000xi32, #tpu.memory_space<vmem>>, vector<16xi32>,
        %sub3A_217 = arith.subi %get3A_216, %min3A_157 : vector<16xi32>
        %gather3A_218 = tpu.vector_load_idx %arg19[%sub3A_217] : memref<10240xf32, #tpu.memory_space<vmem>>[vector<16xi32>], vector<16xf32>,
        %swap3A_219 = arith.index_cast %add3A_214 : i32 to index
        %swap3A_220 = tpu.vector_load %arg9[%swap3A_219] {strides = array<i32>} : memref<10000xf32, #tpu.memory_space<vmem>>, vector<16xf32>,
        tpu.vector_store %arg9[%swap3A_219], %gather3A_218 {strides = array<i32>} : memref<10000xf32, #tpu.memory_space<vmem>>, vector<16xf32>,
        %mul3A_221 = arith.constant 80 : i32
        %mul3A_222 = arith.muli %scan3A_200, %mul3A_221 : i32
        %add3A_223 = arith.constant 32 : i32
        %add3A_224 = arith.addi %mul3A_222, %add3A_223 : i32
        %get3A_225 = arith.index_cast %add3A_224 : i32 to index
        %get3A_226 = tpu.vector_load %arg5[%get3A_225] {strides = array<i32>} : memref<10000xi32, #tpu.memory_space<vmem>>, vector<16xi32>,
        %sub3A_227 = arith.subi %get3A_226, %min3A_157 : vector<16xi32>
        %gather3A_228 = tpu.vector_load_idx %arg19[%sub3A_227] : memref<10240xf32, #tpu.memory_space<vmem>>[vector<16xi32>], vector<16xf32>,
        %swap3A_229 = arith.index_cast %add3A_224 : i32 to index
        %swap3A_230 = tpu.vector_load %arg9[%swap3A_229] {strides = array<i32>} : memref<10000xf32, #tpu.memory_space<vmem>>, vector<16xf32>,
        tpu.vector_store %arg9[%swap3A_229], %gather3A_228 {strides = array<i32>} : memref<10000xf32, #tpu.memory_space<vmem>>, vector<16xf32>,
        %mul3A_231 = arith.constant 80 : i32
        %mul3A_232 = arith.muli %scan3A_200, %mul3A_231 : i32
        %add3A_233 = arith.constant 48 : i32
        %add3A_234 = arith.addi %mul3A_232, %add3A_233 : i32
        %get3A_235 = arith.index_cast %add3A_234 : i32 to index
        %get3A_236 = tpu.vector_load %arg5[%get3A_235] {strides = array<i32>} : memref<10000xi32, #tpu.memory_space<vmem>>, vector<16xi32>,
        %sub3A_237 = arith.subi %get3A_236, %min3A_157 : vector<16xi32>
        %gather3A_238 = tpu.vector_load_idx %arg19[%sub3A_237] : memref<10240xf32, #tpu.memory_space<vmem>>[vector<16xi32>], vector<16xf32>,
        %swap3A_239 = arith.index_cast %add3A_234 : i32 to index
        %swap3A_240 = tpu.vector_load %arg9[%swap3A_239] {strides = array<i32>} : memref<10000xf32, #tpu.memory_space<vmem>>, vector<16xf32>,
        tpu.vector_store %arg9[%swap3A_239], %gather3A_238 {strides = array<i32>} : memref<10000xf32, #tpu.memory_space<vmem>>, vector<16xf32>,
        %mul3A_241 = arith.constant 80 : i32
        %mul3A_242 = arith.muli %scan3A_200, %mul3A_241 : i32
        %add3A_243 = arith.constant 64 : i32
        %add3A_244 = arith.addi %mul3A_242, %add3A_243 : i32
        %get3A_245 = arith.index_cast %add3A_244 : i32 to index
        %get3A_246 = tpu.vector_load %arg5[%get3A_245] {strides = array<i32>} : memref<10000xi32, #tpu.memory_space<vmem>>, vector<16xi32>,
        %sub3A_247 = arith.subi %get3A_246, %min3A_157 : vector<16xi32>
        %gather3A_248 = tpu.vector_load_idx %arg19[%sub3A_247] : memref<10240xf32, #tpu.memory_space<vmem>>[vector<16xi32>], vector<16xf32>,
        %swap3A_249 = arith.index_cast %add3A_244 : i32 to index
        %swap3A_250 = tpu.vector_load %arg9[%swap3A_249] {strides = array<i32>} : memref<10000xf32, #tpu.memory_space<vmem>>, vector<16xf32>,
        tpu.vector_store %arg9[%swap3A_249], %gather3A_248 {strides = array<i32>} : memref<10000xf32, #tpu.memory_space<vmem>>, vector<16xf32>,
        %mul3A_251 = arith.constant 80 : i32
        %mul3A_252 = arith.muli %scan3A_200, %mul3A_251 : i32
        %dma_start3A = tpu.memref_slice %arg9[%mul3A_252] : memref<10000xf32, #tpu.memory_space<vmem>> -> memref<80xf32, #tpu.memory_space<vmem>>
        %dma_start3A_253 = arith.constant 0 : i32
        %dma_start3A_254 = tpu.memref_slice %arg7[%scan3A_200, %dma_start3A_253] : memref<125x80xi32, #tpu.memory_space<vmem>> -> memref<1x80xi32, #tpu.memory_space<vmem>>
        %dma_start3A_255 = tpu.memref_squeeze %dma_start3A_254 : memref<1x80xi32, #tpu.memory_space<vmem>> -> memref<80xi32, #tpu.memory_space<vmem>>
        %dma_start3A_256 = arith.constant 0 : i32
        %dma_start3A_257 = tpu.memref_slice %arg22[%dma_start3A_256] : memref<10240xf32, #tpu.memory_space<vmem_shared>> -> memref<10240xf32, #tpu.memory_space<vmem_shared>>
        tpu.enqueue_indirect_dma source(%dma_start3A : memref<80xf32, #tpu.memory_space<vmem>>) target(%dma_start3A_257 : memref<10240xf32, #tpu.memory_space<vmem_shared>>) offsets(%dma_start3A_255 : memref<80xi32, #tpu.memory_space<vmem>>) semaphore(%arg24 : memref<!tpu.dma_semaphore, #tpu.memory_space<semaphore_mem>>) {add = true}
        %scan3A_258 = arith.constant 0 : i32
        scf.yield %scan3A_258 : i32
      }
      %scan3A_183 = arith.constant 125 : i32
      %dma_wait3A_184 = arith.constant 0 : i32
      %dma_wait3A_185 = tpu.memref_slice %arg2[%dma_wait3A_184] : memref<40960xf32, #tpu.memory_space<hbm>> -> memref<10000xf32, #tpu.memory_space<hbm>>
      %dma_wait3A_186 = arith.constant 0 : i32
      %dma_wait3A_187 = tpu.memref_slice %arg2[%dma_wait3A_186] : memref<40960xf32, #tpu.memory_space<hbm>> -> memref<10000xf32, #tpu.memory_space<hbm>>
      tpu.wait_dma2 semaphore(%arg24 : memref<!tpu.dma_semaphore, #tpu.memory_space<semaphore_mem>>) src(%dma_wait3A_187 : memref<10000xf32, #tpu.memory_space<hbm>>) dst(%arg9 : memref<10000xf32, #tpu.memory_space<vmem>>)
      %barrier3A_188 = arith.constant 0 : index
      tpu.barrier barrier_id(%barrier3A_188)
      "tpu.region"() ({
        %run_scoped3A = tpu.sem_alloc : memref<!tpu.dma_semaphore, #tpu.memory_space<semaphore_mem>>
        %dma_start3A = tpu.memref_slice %arg22[%mul3A_0] : memref<10240xf32, #tpu.memory_space<vmem_shared>> -> memref<640xf32, #tpu.memory_space<vmem_shared>>
        %dma_start3A_200 = tpu.memref_slice %arg22[%mul3A_0] : memref<10240xf32, #tpu.memory_space<vmem_shared>> -> memref<640xf32, #tpu.memory_space<vmem_shared>>
        tpu.enqueue_dma source(%dma_start3A_200 : memref<640xf32, #tpu.memory_space<vmem_shared>>) target(%arg14 : memref<640xf32, #tpu.memory_space<vmem>>) target_semaphore(%run_scoped3A : memref<!tpu.dma_semaphore, #tpu.memory_space<semaphore_mem>>)
        %dma_wait3A_201 = tpu.memref_slice %arg22[%mul3A_0] : memref<10240xf32, #tpu.memory_space<vmem_shared>> -> memref<640xf32, #tpu.memory_space<vmem_shared>>
        %dma_wait3A_202 = tpu.memref_slice %arg22[%mul3A_0] : memref<10240xf32, #tpu.memory_space<vmem_shared>> -> memref<640xf32, #tpu.memory_space<vmem_shared>>
        tpu.wait_dma2 semaphore(%run_scoped3A : memref<!tpu.dma_semaphore, #tpu.memory_space<semaphore_mem>>) src(%dma_wait3A_202 : memref<640xf32, #tpu.memory_space<vmem_shared>>) dst(%arg14 : memref<640xf32, #tpu.memory_space<vmem>>)
        tpu.yield
      }) : () -> ()
      %scan3A_189 = arith.constant 0 : i32
      %scan3A_190 = arith.constant 0 : i32
      %scan3A_191 = arith.constant 40 : i32
      %scan3A_192 = arith.addi %scan3A_190, %scan3A_191 : i32
      %scan3A_193 = arith.constant 1 : i32
      %scan3A_194 = scf.for %scan3A_200 = %scan3A_190 to %scan3A_192 step %scan3A_193 iter_args(%scan3A_201 = %scan3A_189) -> (i32)  : i32 {
        %mul3A_202 = arith.constant 16 : i32
        %mul3A_203 = arith.muli %scan3A_200, %mul3A_202 : i32
        %get3A_204 = arith.index_cast %mul3A_203 : i32 to index
        %get3A_205 = tpu.vector_load %arg13[%get3A_204] {strides = array<i32>} : memref<640xf32, #tpu.memory_space<vmem>>, vector<16xf32>,
        %get3A_206 = arith.index_cast %mul3A_203 : i32 to index
        %get3A_207 = tpu.vector_load %arg14[%get3A_206] {strides = array<i32>} : memref<640xf32, #tpu.memory_space<vmem>>, vector<16xf32>,
        %get3A_208 = arith.index_cast %mul3A_203 : i32 to index
        %get3A_209 = tpu.vector_load %arg12[%get3A_208] {strides = array<i32>} : memref<640xf32, #tpu.memory_space<vmem>>, vector<16xf32>,
        %add3A_210 = arith.addf %get3A_207, %get3A_209 : vector<16xf32>
        %mul3A_211 = arith.mulf %get3A_205, %add3A_210 : vector<16xf32>
        %swap3A_212 = arith.index_cast %mul3A_203 : i32 to index
        %swap3A_213 = tpu.vector_load %arg15[%swap3A_212] {strides = array<i32>} : memref<640xf32, #tpu.memory_space<vmem>>, vector<16xf32>,
        tpu.vector_store %arg15[%swap3A_212], %mul3A_211 {strides = array<i32>} : memref<640xf32, #tpu.memory_space<vmem>>, vector<16xf32>,
        %scan3A_214 = arith.constant 0 : i32
        scf.yield %scan3A_214 : i32
      }
      %scan3A_195 = arith.constant 40 : i32
      %mul3A_196 = arith.constant 10240 : i32
      %mul3A_197 = arith.muli %add3A, %mul3A_196 : i32
      %add3A_198 = arith.addi %mul3A_197, %mul3A_0 : i32
      "tpu.region"() ({
        %run_scoped3A = tpu.sem_alloc : memref<!tpu.dma_semaphore, #tpu.memory_space<semaphore_mem>>
        %dma_start3A = tpu.memref_slice %arg4[%add3A_198] : memref<40960xf32, #tpu.memory_space<hbm>> -> memref<640xf32, #tpu.memory_space<hbm>>
        %dma_start3A_200 = tpu.memref_slice %arg4[%add3A_198] : memref<40960xf32, #tpu.memory_space<hbm>> -> memref<640xf32, #tpu.memory_space<hbm>>
        tpu.enqueue_dma source(%arg15 : memref<640xf32, #tpu.memory_space<vmem>>) target(%dma_start3A_200 : memref<640xf32, #tpu.memory_space<hbm>>) target_semaphore(%run_scoped3A : memref<!tpu.dma_semaphore, #tpu.memory_space<semaphore_mem>>)
        %dma_wait3A_201 = tpu.memref_slice %arg4[%add3A_198] : memref<40960xf32, #tpu.memory_space<hbm>> -> memref<640xf32, #tpu.memory_space<hbm>>
        %dma_wait3A_202 = tpu.memref_slice %arg4[%add3A_198] : memref<40960xf32, #tpu.memory_space<hbm>> -> memref<640xf32, #tpu.memory_space<hbm>>
        tpu.wait_dma2 semaphore(%run_scoped3A : memref<!tpu.dma_semaphore, #tpu.memory_space<semaphore_mem>>) src(%arg15 : memref<640xf32, #tpu.memory_space<vmem>>) dst(%dma_wait3A_202 : memref<640xf32, #tpu.memory_space<hbm>>)
        tpu.yield
      }) : () -> ()
      %scan3A_199 = arith.constant 0 : i32
      scf.yield %scan3A_199 : i32
    }
    %scan3A_20 = arith.constant 2 : i32
    return
  }
}

module attributes {stable_mosaic.version = 14 : i64} {
  func.func @_tc_body(%arg0: i32, %arg1: memref<4x2048xf32, #tpu.memory_space<vmem>>, %arg2: memref<1x64xf32, #tpu.memory_space<vmem>>, %arg3: memref<1x64xf32, #tpu.memory_space<vmem>>, %arg4: memref<128x64xf32, #tpu.memory_space<vmem>>, %arg5: memref<1x64xf32, #tpu.memory_space<vmem>>, %arg6: memref<1x64xf32, #tpu.memory_space<vmem>>, %arg7: memref<1x64xf32, #tpu.memory_space<vmem>>, %arg8: memref<128x64xf32, #tpu.memory_space<vmem>>, %arg9: memref<1x64xf32, #tpu.memory_space<vmem>>, %arg10: memref<4x2048x64xf32, #tpu.memory_space<vmem>>) attributes {dimension_semantics = [#tpu.dimension_semantics<arbitrary>], iteration_bounds = array<i64: 5>, scalar_prefetch = 0 : i64, scratch_operands = 0 : i64, tpu.core_type = #tpu.core_type<tc>, window_params = [{transform_indices = @transform_0, window_bounds = array<i64: 4, 2048>}, {pipeline_mode = #tpu.pipeline_mode<synchronous>, transform_indices = @transform_1, window_bounds = array<i64: 1, 64>}, {pipeline_mode = #tpu.pipeline_mode<synchronous>, transform_indices = @transform_2, window_bounds = array<i64: 1, 64>}, {pipeline_mode = #tpu.pipeline_mode<synchronous>, transform_indices = @transform_3, window_bounds = array<i64: 128, 64>}, {pipeline_mode = #tpu.pipeline_mode<synchronous>, transform_indices = @transform_4, window_bounds = array<i64: 1, 64>}, {pipeline_mode = #tpu.pipeline_mode<synchronous>, transform_indices = @transform_5, window_bounds = array<i64: 1, 64>}, {pipeline_mode = #tpu.pipeline_mode<synchronous>, transform_indices = @transform_6, window_bounds = array<i64: 1, 64>}, {pipeline_mode = #tpu.pipeline_mode<synchronous>, transform_indices = @transform_7, window_bounds = array<i64: 128, 64>}, {pipeline_mode = #tpu.pipeline_mode<synchronous>, transform_indices = @transform_8, window_bounds = array<i64: 1, 64>}, {transform_indices = @transform_9, window_bounds = array<i64: 4, 2048, 64>}]} {
    %get3A = arith.constant 0 : index
    %get3A_0 = arith.constant 0 : index
    %get3A_1 = vector.load %arg2[%get3A, %get3A_0] : memref<1x64xf32, #tpu.memory_space<vmem>>, vector<1x64xf32>
    %get3A_2 = arith.constant 0 : index
    %get3A_3 = arith.constant 0 : index
    %get3A_4 = vector.load %arg4[%get3A_2, %get3A_3] : memref<128x64xf32, #tpu.memory_space<vmem>>, vector<64x64xf32>
    %dot_general3A = arith.constant dense<0.000000e+00> : vector<1x64xf32>
    %dot_general3A_5 = tpu.matmul %get3A_1, %get3A_4, %dot_general3A {dimension_numbers = #tpu.dot_dimension_numbers<[1], [0], [0], [1], [0, 0, 1, 1], [], []>, transpose_lhs_hint = false} : vector<1x64xf32>, vector<64x64xf32>, vector<1x64xf32> -> vector<1x64xf32>
    %get3A_6 = arith.constant 0 : index
    %get3A_7 = arith.constant 0 : index
    %get3A_8 = vector.load %arg3[%get3A_6, %get3A_7] : memref<1x64xf32, #tpu.memory_space<vmem>>, vector<1x64xf32>
    %get3A_9 = arith.constant 0 : index
    %get3A_10 = arith.constant 0 : index
    %get3A_11 = vector.load %arg4[%get3A_9, %get3A_10] : memref<128x64xf32, #tpu.memory_space<vmem>>, vector<64x64xf32>
    %dot_general3A_12 = arith.constant dense<0.000000e+00> : vector<1x64xf32>
    %dot_general3A_13 = tpu.matmul %get3A_8, %get3A_11, %dot_general3A_12 {dimension_numbers = #tpu.dot_dimension_numbers<[1], [0], [0], [1], [0, 0, 1, 1], [], []>, transpose_lhs_hint = false} : vector<1x64xf32>, vector<64x64xf32>, vector<1x64xf32> -> vector<1x64xf32>
    %get3A_14 = arith.constant 0 : index
    %get3A_15 = arith.constant 0 : index
    %get3A_16 = vector.load %arg5[%get3A_14, %get3A_15] : memref<1x64xf32, #tpu.memory_space<vmem>>, vector<1x64xf32>
    %add3A = arith.addf %dot_general3A_13, %get3A_16 : vector<1x64xf32>
    %get3A_17 = arith.constant 0 : index
    %get3A_18 = arith.constant 0 : index
    %get3A_19 = vector.load %arg6[%get3A_17, %get3A_18] : memref<1x64xf32, #tpu.memory_space<vmem>>, vector<1x64xf32>
    %get3A_20 = arith.constant 0 : index
    %get3A_21 = arith.constant 0 : index
    %get3A_22 = vector.load %arg8[%get3A_20, %get3A_21] : memref<128x64xf32, #tpu.memory_space<vmem>>, vector<64x64xf32>
    %dot_general3A_23 = arith.constant dense<0.000000e+00> : vector<1x64xf32>
    %dot_general3A_24 = tpu.matmul %get3A_19, %get3A_22, %dot_general3A_23 {dimension_numbers = #tpu.dot_dimension_numbers<[1], [0], [0], [1], [0, 0, 1, 1], [], []>, transpose_lhs_hint = false} : vector<1x64xf32>, vector<64x64xf32>, vector<1x64xf32> -> vector<1x64xf32>
    %get3A_25 = arith.constant 0 : index
    %get3A_26 = arith.constant 0 : index
    %get3A_27 = vector.load %arg7[%get3A_25, %get3A_26] : memref<1x64xf32, #tpu.memory_space<vmem>>, vector<1x64xf32>
    %get3A_28 = arith.constant 0 : index
    %get3A_29 = arith.constant 0 : index
    %get3A_30 = vector.load %arg8[%get3A_28, %get3A_29] : memref<128x64xf32, #tpu.memory_space<vmem>>, vector<64x64xf32>
    %dot_general3A_31 = arith.constant dense<0.000000e+00> : vector<1x64xf32>
    %dot_general3A_32 = tpu.matmul %get3A_27, %get3A_30, %dot_general3A_31 {dimension_numbers = #tpu.dot_dimension_numbers<[1], [0], [0], [1], [0, 0, 1, 1], [], []>, transpose_lhs_hint = false} : vector<1x64xf32>, vector<64x64xf32>, vector<1x64xf32> -> vector<1x64xf32>
    %get3A_33 = arith.constant 0 : index
    %get3A_34 = arith.constant 0 : index
    %get3A_35 = vector.load %arg9[%get3A_33, %get3A_34] : memref<1x64xf32, #tpu.memory_space<vmem>>, vector<1x64xf32>
    %add3A_36 = arith.addf %dot_general3A_32, %get3A_35 : vector<1x64xf32>
    %get3A_37 = arith.constant 0 : index
    %get3A_38 = arith.constant 0 : index
    %get3A_39 = vector.load %arg1[%get3A_37, %get3A_38] : memref<4x2048xf32, #tpu.memory_space<vmem>>, vector<4x2048xf32>
    %broadcast_in_dim3A = vector.shape_cast %get3A_39 : vector<4x2048xf32> to vector<4x2048x1xf32>
    %squeeze3A = vector.shape_cast %dot_general3A_5 : vector<1x64xf32> to vector<64xf32>
    %broadcast_in_dim3A_40 = vector.shape_cast %squeeze3A : vector<64xf32> to vector<1x1x64xf32>
    %mul3A = vector.broadcast %broadcast_in_dim3A : vector<4x2048x1xf32> to vector<4x2048x64xf32>
    %mul3A_41 = vector.broadcast %broadcast_in_dim3A_40 : vector<1x1x64xf32> to vector<4x2048x64xf32>
    %mul3A_42 = arith.mulf %mul3A, %mul3A_41 : vector<4x2048x64xf32>
    %squeeze3A_43 = vector.shape_cast %add3A : vector<1x64xf32> to vector<64xf32>
    %broadcast_in_dim3A_44 = vector.shape_cast %squeeze3A_43 : vector<64xf32> to vector<1x1x64xf32>
    %add3A_45 = vector.broadcast %broadcast_in_dim3A_44 : vector<1x1x64xf32> to vector<4x2048x64xf32>
    %add3A_46 = arith.addf %mul3A_42, %add3A_45 : vector<4x2048x64xf32>
    %logistic3A = arith.negf %add3A_46 : vector<4x2048x64xf32>
    %logistic3A_47 = math.exp %logistic3A : vector<4x2048x64xf32>
    %logistic3A_48 = arith.constant 1.000000e+00 : f32
    %logistic3A_49 = vector.broadcast %logistic3A_48 : f32 to vector<4x2048x64xf32>
    %logistic3A_50 = arith.addf %logistic3A_49, %logistic3A_47 : vector<4x2048x64xf32>
    %logistic3A_51 = arith.divf %logistic3A_49, %logistic3A_50 : vector<4x2048x64xf32>
    %squeeze3A_52 = vector.shape_cast %dot_general3A_24 : vector<1x64xf32> to vector<64xf32>
    %broadcast_in_dim3A_53 = vector.shape_cast %squeeze3A_52 : vector<64xf32> to vector<1x1x64xf32>
    %mul3A_54 = vector.broadcast %broadcast_in_dim3A : vector<4x2048x1xf32> to vector<4x2048x64xf32>
    %mul3A_55 = vector.broadcast %broadcast_in_dim3A_53 : vector<1x1x64xf32> to vector<4x2048x64xf32>
    %mul3A_56 = arith.mulf %mul3A_54, %mul3A_55 : vector<4x2048x64xf32>
    %squeeze3A_57 = vector.shape_cast %add3A_36 : vector<1x64xf32> to vector<64xf32>
    %broadcast_in_dim3A_58 = vector.shape_cast %squeeze3A_57 : vector<64xf32> to vector<1x1x64xf32>
    %add3A_59 = vector.broadcast %broadcast_in_dim3A_58 : vector<1x1x64xf32> to vector<4x2048x64xf32>
    %add3A_60 = arith.addf %mul3A_56, %add3A_59 : vector<4x2048x64xf32>
    %tanh3A = math.tanh %add3A_60 : vector<4x2048x64xf32>
    %sub3A = arith.constant 1.000000e+00 : f32
    %sub3A_61 = vector.broadcast %sub3A : f32 to vector<4x2048x64xf32>
    %sub3A_62 = arith.subf %sub3A_61, %logistic3A_51 : vector<4x2048x64xf32>
    %mul3A_63 = arith.mulf %sub3A_62, %tanh3A : vector<4x2048x64xf32>
    %swap3A = arith.constant 0 : index
    %swap3A_64 = arith.constant 0 : index
    %swap3A_65 = arith.constant 0 : index
    %swap3A_66 = vector.load %arg10[%swap3A, %swap3A_64, %swap3A_65] : memref<4x2048x64xf32, #tpu.memory_space<vmem>>, vector<4x2048x64xf32>
    tpu.vector_store %arg10[%swap3A, %swap3A_64, %swap3A_65], %mul3A_63 {strides = array<i32>} : memref<4x2048x64xf32, #tpu.memory_space<vmem>>, vector<4x2048x64xf32>,
    return
  }
  func.func @transform_0(%arg0: i32) -> (i32, i32) {
    %c0_i32 = arith.constant 0 : i32
    %c0_i32_0 = arith.constant 0 : i32
    return %c0_i32, %arg0 : i32, i32
  }
  func.func @transform_1(%arg0: i32) -> (i32, i32) {
    %c0_i32 = arith.constant 0 : i32
    %c0_i32_0 = arith.constant 0 : i32
    %c0_i32_1 = arith.constant 0 : i32
    return %c0_i32, %c0_i32_0 : i32, i32
  }
  func.func @transform_2(%arg0: i32) -> (i32, i32) {
    %c0_i32 = arith.constant 0 : i32
    %c0_i32_0 = arith.constant 0 : i32
    %c0_i32_1 = arith.constant 0 : i32
    return %c0_i32, %c0_i32_0 : i32, i32
  }
  func.func @transform_3(%arg0: i32) -> (i32, i32) {
    %c0_i32 = arith.constant 0 : i32
    %c0_i32_0 = arith.constant 0 : i32
    %c0_i32_1 = arith.constant 0 : i32
    return %c0_i32, %c0_i32_0 : i32, i32
  }
  func.func @transform_4(%arg0: i32) -> (i32, i32) {
    %c0_i32 = arith.constant 0 : i32
    %c0_i32_0 = arith.constant 0 : i32
    %c0_i32_1 = arith.constant 0 : i32
    return %c0_i32, %c0_i32_0 : i32, i32
  }
  func.func @transform_5(%arg0: i32) -> (i32, i32) {
    %c0_i32 = arith.constant 0 : i32
    %c0_i32_0 = arith.constant 0 : i32
    %c0_i32_1 = arith.constant 0 : i32
    return %c0_i32, %c0_i32_0 : i32, i32
  }
  func.func @transform_6(%arg0: i32) -> (i32, i32) {
    %c0_i32 = arith.constant 0 : i32
    %c0_i32_0 = arith.constant 0 : i32
    %c0_i32_1 = arith.constant 0 : i32
    return %c0_i32, %c0_i32_0 : i32, i32
  }
  func.func @transform_7(%arg0: i32) -> (i32, i32) {
    %c0_i32 = arith.constant 0 : i32
    %c0_i32_0 = arith.constant 0 : i32
    %c0_i32_1 = arith.constant 0 : i32
    return %c0_i32, %c0_i32_0 : i32, i32
  }
  func.func @transform_8(%arg0: i32) -> (i32, i32) {
    %c0_i32 = arith.constant 0 : i32
    %c0_i32_0 = arith.constant 0 : i32
    %c0_i32_1 = arith.constant 0 : i32
    return %c0_i32, %c0_i32_0 : i32, i32
  }
  func.func @transform_9(%arg0: i32) -> (i32, i32, i32) {
    %c0_i32 = arith.constant 0 : i32
    %c0_i32_0 = arith.constant 0 : i32
    %c0_i32_1 = arith.constant 0 : i32
    return %c0_i32, %arg0, %c0_i32_0 : i32, i32, i32
  }
}

</mosaic_0001>

<sc_bundles>
// kernel: kernel.4.cloned.1.call-start
scs
__scs_entry_jumppad:
0x0: {  	(pc) =	sbr.rel $0x88, $3  }
0x1: {  	(tag) =	ssettag $0x0;
	lr =	simm.s32 $0x1  }
0x2: {  	[smem:$0x3F97] =	sst lr;
	_ =	strace $0xD0000000  }
0x3: {  	_ = 	snop  }
0x4: {  	_ = 	snop  }
0x5: {  	_ = 	snop  }
0x6: {  	_ = 	snop  }
0x7: {  	_ = 	snop  }
__scs_overlays_trampoline_lowered:
0x8: {  	[smem:$0x3FA6] =	sst s0  }
0x9: {  	[smem:$0x3FA7] =	sst s1  }
0xa: {  	[smem:$0x3FA8] =	sst s2  }
0xb: {  	[smem:$0x3FA9] =	sst s3  }
0xc: {  	[smem:$0x3FAA] =	sst s4  }
0xd: {  	[smem:$0x3FAB] =	sst s5  }
0xe: {  	[smem:$0x3FAC] =	sst s6  }
0xf: {  	[smem:$0x3FAD] =	sst s7  }
0x10: {  	[smem:$0x3FAE] =	sst s8  }
0x11: {  	[smem:$0x3FAF] =	sst s9;
	s0 =	simm.s32 @!p0 $0x0  }
0x12: {  	s1 =	sld [smem:$0x3F95];
	s0 =	simm.s32 @p0 $0x1  }
0x13: {  	[smem:$0x3FB0] =	sst s0;
	s0 =	simm.s32 @!p1 $0x0  }
0x14: {  	s2 =	sld [smem:$0x3F94];
	s0 =	simm.s32 @p1 $0x1  }
0x15: {  	[smem:$0x3FB1] =	sst s0;
	s0 =	simm.s32 @!p2 $0x0  }
0x16: {  	s3 =	sld [smem:$0x3FDB];
	s0 =	simm.s32 @p2 $0x1  }
0x17: {  	s4 =	simm.s32 $0x1BF5;
	[smem:$0x3FB3] =	sst s0  }
0x18: {  	s0 =	sld [smem:$0x3F96];
	_ =	swait.ge [sflag:s4], $0x0  }
0x19: {  	s7 =	sld [smem:$0x3F97]  }
0x1a: {  	s8 =	sadd.s32 $0xFFFFE003, lr  }
0x1b: {  	s9 =	sadd.s32 $0xFFFFFEF7, lr;
	s5 =	simm.s32 $0xFFFFFFFF;
	p2 =	slt.u32 s8, $0xFFFFF086  }
0x1c: {  	p1 =	slt.u32 s9, $0xF7A;
	s5 =	simm.s32 @!p2 $0x0  }
0x1d: {  	s5 =	simm.s32 @p1 $0x1;
	p0 =	seq.s32 s7, s2  }
0x1e: {  	s7 =	smul.u32 @!p0 $0xF7A, s2;
	p2 =	seq.s32 @!p0 s5, $0x0  }
0x1f: {  	s9 =	smul.u32 $0xF7A, s1;
	s8 =	simm.s32 @!p0 $0x1BF5;
	p2 =	por !p2, p0  }
0x20: {  	[sflag:s8] =	ssyncset.s32 @!p0 $0xFFFFF086;
	s6 =	sadd.s32 @!p0 s3, s7;
	s7 =	simm.s32 @!p0 $0x108  }
0x21: {  	s3 =	sadd.s32 s3, s9;
	s6 =	sadd.s32 @!p0 $0x88, s6;
	s7 =	simm.s32 @p2 $0x1082  }
0x22: {  	[simem:s7], [sflag:s8] =	dma.local @!p0 [hbm:s6], $0xF7A  }
0x23: {  	s9 =	sor.u32 $0xD0000000, s2;
	s6 =	simm.s32 $0x108;
	_ =	swait.ge @!p0 [sflag:s8], $0x0  }
0x24: {  	s3 =	sadd.s32 $0x88, s3;
	s6 =	simm.s32 @!p1 $0x1082;
	[sflag:s4] =	ssyncset.s32 $0xFFFFF086  }
0x25: {  	[simem:s6], [sflag:s4] =	dma.local [hbm:s3], $0xF7A  }
0x26: {  	[smem:$0x3F97] =	sst s1;
	(tag) =	ssettag s2;
	_ =	strace s9  }
0x27: {  	s1 =	sld [smem:$0x3FA7]  }
0x28: {  	s2 =	sld [smem:$0x3FA8]  }
0x29: {  	s4 =	sld [smem:$0x3FAA]  }
0x2a: {  	p0 =	seq.s32 s5, $0x0;
	s5 =	sld [smem:$0x3FAB]  }
0x2b: {  	s6 =	sld [smem:$0x3FAC]  }
0x2c: {  	s7 =	sld [smem:$0x3FAD]  }
0x2d: {  	s3 =	simm.s32 $0x108;
	s8 =	sld [smem:$0x3FAE]  }
0x2e: {  	s3 =	simm.s32 @!p0 $0x1082;
	s9 =	sld [smem:$0x3FAF]  }
0x2f: {  	lr =	sadd.s32 s0, s3;
	s0 =	sld [smem:$0x3FA6]  }
0x30: {  	s3 =	sld [smem:$0x3FA9]  }
0x31: {  	[smem:$0x3FB2] =	sst s10  }
0x32: {  	s10 =	sld [smem:$0x3FB0];
	_ =	sdelay $0x3  }
0x33: {  	p0 =	seq.s32 s10, $0x1;
	s10 =	sld [smem:$0x3FB2];
	_ =	sdelay $0x3  }
0x34: {  	[smem:$0x3FB2] =	sst s10  }
0x35: {  	s10 =	sld [smem:$0x3FB1];
	_ =	sdelay $0x3  }
0x36: {  	p1 =	seq.s32 s10, $0x1;
	s10 =	sld [smem:$0x3FB2];
	_ =	sdelay $0x3  }
0x37: {  	[smem:$0x3FB2] =	sst s10  }
0x38: {  	s10 =	sld [smem:$0x3FB3]  }
0x39: {  	_ = 	snop;
	(pc) =	sbr.ind lr, $3  }
0x3a: {  	_ = 	snop  }
0x3b: {  	_ = 	snop  }
0x3c: {  	p2 =	seq.s32 s10, $0x1;
	s10 =	sld [smem:$0x3FB2]  }
0x3d: {  	_ =	shalt  }
0x3e: {  	_ =	shalt  }
0x3f: {  	_ =	shalt  }
0x40: {  	_ =	shalt  }
0x41: {  	_ =	shalt  }
0x42: {  	_ =	shalt  }
0x43: {  	_ =	shalt  }
0x44: {  	_ =	shalt  }
0x45: {  	_ =	shalt  }
0x46: {  	_ =	shalt  }
0x47: {  	_ =	shalt  }
0x48: {  	_ =	shalt  }
0x49: {  	_ =	shalt  }
0x4a: {  	_ =	shalt  }
0x4b: {  	_ =	shalt  }
0x4c: {  	_ =	shalt  }
0x4d: {  	_ =	shalt  }
0x4e: {  	_ =	shalt  }
0x4f: {  	_ =	shalt  }
0x50: {  	_ =	shalt  }
0x51: {  	_ =	shalt  }
0x52: {  	_ =	shalt  }
0x53: {  	_ =	shalt  }
0x54: {  	_ =	shalt  }
0x55: {  	_ =	shalt  }
0x56: {  	_ =	shalt  }
0x57: {  	_ =	shalt  }
0x58: {  	_ =	shalt  }
0x59: {  	_ =	shalt  }
0x5a: {  	_ =	shalt  }
0x5b: {  	_ =	shalt  }
0x5c: {  	_ =	shalt  }
0x5d: {  	_ =	shalt  }
0x5e: {  	_ =	shalt  }
0x5f: {  	_ =	shalt  }
0x60: {  	_ =	shalt  }
0x61: {  	_ =	shalt  }
0x62: {  	_ =	shalt  }
0x63: {  	_ =	shalt  }
0x64: {  	_ =	shalt  }
0x65: {  	_ =	shalt  }
0x66: {  	_ =	shalt  }
0x67: {  	_ =	shalt  }
0x68: {  	_ =	shalt  }
0x69: {  	_ =	shalt  }
0x6a: {  	_ =	shalt  }
0x6b: {  	_ =	shalt  }
0x6c: {  	_ =	shalt  }
0x6d: {  	_ =	shalt  }
0x6e: {  	_ =	shalt  }
0x6f: {  	_ =	shalt  }
0x70: {  	_ =	shalt  }
0x71: {  	_ =	shalt  }
0x72: {  	_ =	shalt  }
0x73: {  	_ =	shalt  }
0x74: {  	_ =	shalt  }
0x75: {  	_ =	shalt  }
0x76: {  	_ =	shalt  }
0x77: {  	_ =	shalt  }
0x78: {  	_ =	shalt  }
0x79: {  	_ =	shalt  }
0x7a: {  	_ =	shalt  }
0x7b: {  	_ =	shalt  }
0x7c: {  	_ =	shalt  }
0x7d: {  	_ =	shalt  }
0x7e: {  	_ =	shalt  }
0x7f: {  	_ =	shalt  }
0x80: {  	_ =	shalt  }
0x81: {  	_ =	shalt  }
0x82: {  	_ =	shalt  }
0x83: {  	_ =	shalt  }
0x84: {  	_ =	shalt  }
0x85: {  	_ =	shalt  }
0x86: {  	_ =	shalt  }
0x87: {  	_ =	shalt  }
.Lfunc_end0:
.L_simem_size_0:
called_computation_lowered:
.L_overlay_start_0:
0x88: {  	s2 =	sld [smem:$0x3FD9]  }
0x89: {  	s3 =	sld [smem:$0x3FFE];
	_ =	sdelay $0x1  }
0x8a: {  	s1 =	srdreg.scid  }
0x8b: {  	s0 =	sand.u32 $0x1, s1  }
0x8c: {  	s17 =	sshll.u32 s0, $0xA;
	s2 =	sadd.s32 s3, s2  }
0x8d: {  	s2 =	sadd.s32 s2, s17  }
0x8e: {  	[smem:$0x3FBE] =	sst s2  }
0x8f: {  	_ = 	snop  }
0x90: {  	s2 =	sld [smem:$0x3FD0];
	(tm) =	ssettm $0x1  }
0x91: {  	s18 =	sld [smem:$0x3FFB];
	_ =	sdelay $0x3  }
0x92: {  	_ =	strace s18  }
0x93: {  	s3 =	sld [smem:$0x3FFC];
	_ =	sdelay $0x3  }
0x94: {  	_ =	strace s3  }
0x95: {  	s3 =	sld [smem:$0x3FFD];
	_ =	sdelay $0x3  }
0x96: {  	_ =	strace s3  }
0x97: {  	_ =	strace $0x8FFFFFFF  }
0x98: {  	s19 =	sld [smem:$0x3FDB];
	_ =	sdelay $0x1  }
0x99: {  	s4 =	simm.s32 $_scs_section_size  }
0x9a: {  	s5 =	simm.s32 $_size__tile_overlayer_lowered;
	s6 =	simm.s32 $_tile_overlayer_lowered  }
0x9b: {  	s22 =	simm.s32 $0x1BFF;
	s21 =	sshll.u32 s6, $0x1;
	s3 =	sadd.s32 s4, s19  }
0x9c: {  	s7 =	simm.s32 $0x0;
	s20 =	sshll.u32 s5, $0x1;
	s5 =	sadd.s32 s21, s3  }
0x9d: {  	[timem:s7], [sflag:s22] =	dma.local [hbm:s5], s20  }
0x9e: {  	_ =	swait.ge [sflag:s22], s20  }
0x9f: {  	s4 =	ssub.s32 $0x0, s20;
	[sflag:s22] =	ssyncset.done $0x0  }
0xa0: {  	[sflag:s22] =	ssyncadd.s32 s4;
	_ =	sdelay $0x1  }
0xa1: {  	s23 =	simm.s32 $0x1B8B  }
0xa2: {  	_ =	swait.ge [sflag:s23], $0x1  }
0xa3: {  	[sflag:s23] =	ssyncset.done $0x0  }
0xa4: {  	s25 =	simm.s32 $0x1B8E;
	s24 =	sld [smem:$0x3FFE];
	[sflag:s23] =	ssyncadd.s32 $0xFFFFFFFF  }
0xa5: {  	s26 =	simm.s32 $execute0_lowered;
	[smem:$0x3FD2] =	sst s25  }
0xa6: {  	s5 =	sshll.u32 s26, $0x1;
	_ =	strace $0x80000046;
	[dreg:$0x1] =	wrdreg $0xFFFFFFFF  }
0xa7: {  	s28 =	simm.s32 $_size_execute0_lowered;
	s3 =	sadd.s32 s3, s5;
	[dreg:$0x0] =	wrdreg $0x0  }
0xa8: {  	s5 =	sshll.u32 s28, $0x1;
	[dreg:$0x2] =	wrdreg s3  }
0xa9: {  	[dreg:$0x3] =	wrdreg s5  }
0xaa: {  	[dreg:$0x4] =	wrdreg $0xC0  }
0xab: {  	_ =	task [dreg:s7], $0x5FFFF  }
0xac: {  	[dreg:$0x1] =	wrdreg $0xFFFFFFFF  }
0xad: {  	[dreg:$0x0] =	wrdreg $0x60  }
0xae: {  	[dreg:$0x2] =	wrdreg s24  }
0xaf: {  	[dreg:$0x3] =	wrdreg s2  }
0xb0: {  	[dreg:$0x4] =	wrdreg $0xF9000  }
0xb1: {  	[dreg:$0x5] =	wrdreg $0xF9100  }
0xb2: {  	[dreg:$0x6] =	wrdreg $0xFB900  }
0xb3: {  	[dreg:$0x7] =	wrdreg $0xFE100  }
0xb4: {  	[dreg:$0x8] =	wrdreg $0x9  }
0xb5: {  	_ =	task.clear_ibuf [dreg:s7], $0x9FFFF;
	_ =	strace $0x90000046  }
0xb6: {  	s29 =	simm.s32 $0x9;
	_ =	strace $0x80000048  }
0xb7: {  	_ =	swait.ge [sflag:s29], $0x1  }
0xb8: {  	[sflag:s29] =	ssyncadd.s32 $0xFFFFFFFF  }
0xb9: {  	_ =	strace $0x90000048  }
0xba: {  	_ =	sfence  }
0xbb: {  	s30 =	sld [smem:$0x0];
	_ =	sdelay $0x2  }
0xbc: {  	s31 =	sshll.u32 s1, $0xD;
	s1 =	sshrl.u32 s1, $0x2  }
0xbd: {  	s3 =	sand.u32 $0x4000, s31;
	s1 =	sadd.s32 s1, s30  }
0xbe: {  	s0 =	sor.u32 s3, s0;
	s1 =	sshll.u32 s1, $0x11  }
0xbf: {  	s0 =	sor.u32 s1, s0  }
0xc0: {  	s0 =	sadd.s32 $0x8F2B, s0  }
0xc1: {  	[sflag:s0] =	ssyncadd.remote.s32 $0x1  }
0xc2: {  	_ =	sfence.sel $0xFFFF  }
0xc3: {  	[dreg:$0x0] =	wrdreg $0xFFFFFFFF;
	(pc) =	sbr.abs _section_cstart, $3  }
0xc4: {  	[dreg:$0x1] =	wrdreg $0xFFFFFFFF  }
0xc5: {  	_ =	task.clear_ibuf [dreg:s7], $0x2FFFF;
	_ =	strace $0x9FFFFFFF  }
0xc6: {  	(tm) =	ssettm $0x7FFFFFFF  }
0xc7: {  	_ =	shalt  }
tec
execute0_lowered:
.L_overlay_start_1:
0x0: {  	(tag) =	ssettag $0x1  }
0x1: {  	s0 =	rddreg [dreg:$0x0]  }
0x2: {  	s1 =	rddreg [dreg:$0x1]  }
0x3: {  	s6 =	rddreg [dreg:$0x2]  }
0x4: {  	s3 =	rddreg [dreg:$0x3]  }
0x5: {  	s4 =	rddreg [dreg:$0x4]  }
0x6: {  	s7 =	rddreg [dreg:$0x5];
	v0 =	vimm.s32 $0xFEDCBA98;
	s2 =	simm.s32 $0x0;
	v1 =	vimm.s32 $0x76543210;
	v2 =	vimm.s32 $0xBA98FEDC  }
0x7: {  	s24 =	srdreg.scid;
	s16 =	stileid.u32;
	v3 =	vimm.s32 $0x32107654;
	v4 =	vimm.s32 $0xDCFE98BA;
	s19 =	simm.s32 $0xC600  }
0x8: {  	v5 =	vimm.s32 $0x54761032;
	v6 =	vimm.s32 $0xEFCDAB89;
	s20 =	simm.s32 $0x2;
	s28 =	simm.s32 $0x1;
	s29 =	simm.s32 $0xB980  }
0x9: {  	v7 =	vimm.s32 $0x67452301;
	s30 =	simm.s32 $0xBC00;
	s31 =	simm.s32 $0xD100;
	[smem:$0x7FF] =	sst s2  }
0xa: {  	v0 =	vunpack.c.l.s4.s8 v0;
	s2 =	sand.u32 $0x1, s24;
	v1 =	vunpack.c.l.s4.s8 v1;
	s8 =	sadd.s32 $0x1400, s0;
	s9 =	smul.u32 $0x280, s16;
	v2 =	vunpack.c.l.s4.s8 v2  }
0xb: {  	s10 =	sadd.s32 $0x2800, s0;
	s11 =	smul.u32 $0x2710, s16;
	s26 =	sshll.u32 s16, $0x7;
	v3 =	vunpack.c.l.s4.s8 v3;
	v4 =	vunpack.c.l.s4.s8 v4;
	v5 =	vunpack.c.l.s4.s8 v5  }
0xc: {  	v6 =	vunpack.c.l.s4.s8 v6;
	v7 =	vunpack.c.l.s4.s8 v7;
	s24 =	simm.s32 $0xC900;
	_ =	strace $0x80000047;
	s5 =	ssub.s32 $0x2, s2;
	v0 =	vunpack.c.0.s8.s32 v0  }
0xd: {  	s12 =	sshll.u32 s2, $0x1;
	s16 =	sadd.s32 s26, s6;
	s26 =	simm.s32 $0x8F00;
	v1 =	vunpack.c.0.s8.s32 v1;
	v2 =	vunpack.c.0.s8.s32 v2;
	v3 =	vunpack.c.0.s8.s32 v3  }
0xe: {  	s25 =	sshrl.u32 s5, $0x1;
	s13 =	sadd.s32 s9, s3;
	s14 =	sadd.s32 s9, s4;
	v4 =	vunpack.c.0.s8.s32 v4;
	v5 =	vunpack.c.0.s8.s32 v5;
	v0 =	vand.u32 $0xF, v0  }
0xf: {  	s15 =	sadd.s32 $0x27100, s11;
	s17 =	sadd.s32 s9, s7;
	v6 =	vunpack.c.0.s8.s32 v6;
	v7 =	vunpack.c.0.s8.s32 v7;
	s0 =	ssub.s32 s5, s25;
	v0 =	vcombine.low v0, v1  }
0x10: {  	s7 =	simm.s32 $0xC380;
	s25 =	simm.s32 $0x50;
	s0 =	smax.u32 s0, $0x1;
	v1 =	vcombine.low v3, v2;
	v2 =	vimm.f32 $1.000000000e+00;
	v3 =	vcombine.low v5, v4  }
0x11: {  	s5 =	simm.s32 $0x0;
	[dreg:$0x7] =	wrdreg s0;
	v4 =	vimm.f32 $0.0e+00;
	v5 =	vcombine.low v7, v6;
	v6 =	vimm.f32 $5.000000000e-01;
	s0 =	simm.s32 $0xC100  }
.LBB2_1:
0x12: {  	[tilespmem:$0x8F00] =	vst v2  }
0x13: {  	[tilespmem:$0x8F10] =	vst v2  }
0x14: {  	[tilespmem:$0x8F20] =	vst v2  }
0x15: {  	[tilespmem:$0x8F30] =	vst v2  }
0x16: {  	[tilespmem:$0x8F40] =	vst v2  }
0x17: {  	[tilespmem:$0xC600] =	vst v4  }
0x18: {  	[tilespmem:$0xC610] =	vst v4  }
0x19: {  	[tilespmem:$0xC620] =	vst v4  }
0x1a: {  	[tilespmem:$0xC630] =	vst v4  }
0x1b: {  	[tilespmem:$0xC640] =	vst v4  }
0x1c: {  	[tilespmem:$0xC650] =	vst v4  }
0x1d: {  	[tilespmem:$0xC660] =	vst v4  }
0x1e: {  	[tilespmem:$0xC670] =	vst v4  }
0x1f: {  	[tilespmem:$0xC680] =	vst v4  }
0x20: {  	[tilespmem:$0xC690] =	vst v4  }
0x21: {  	[tilespmem:$0xC6A0] =	vst v4  }
0x22: {  	[tilespmem:$0xC6B0] =	vst v4  }
0x23: {  	[tilespmem:$0xC6C0] =	vst v4  }
0x24: {  	[tilespmem:$0xC6D0] =	vst v4  }
0x25: {  	[tilespmem:$0xC6E0] =	vst v4  }
0x26: {  	[tilespmem:$0xC6F0] =	vst v4  }
0x27: {  	[tilespmem:$0xC700] =	vst v4  }
0x28: {  	[tilespmem:$0xC710] =	vst v4  }
0x29: {  	[tilespmem:$0xC720] =	vst v4  }
0x2a: {  	[tilespmem:$0xC730] =	vst v4  }
0x2b: {  	[tilespmem:$0xC740] =	vst v4  }
0x2c: {  	[tilespmem:$0xC750] =	vst v4  }
0x2d: {  	[tilespmem:$0xC760] =	vst v4  }
0x2e: {  	[tilespmem:$0xC770] =	vst v4  }
0x2f: {  	[tilespmem:$0xC780] =	vst v4  }
0x30: {  	[tilespmem:$0xC790] =	vst v4  }
0x31: {  	[tilespmem:$0xC7A0] =	vst v4  }
0x32: {  	[tilespmem:$0xC7B0] =	vst v4  }
0x33: {  	[tilespmem:$0xC7C0] =	vst v4  }
0x34: {  	[tilespmem:$0xC7D0] =	vst v4  }
0x35: {  	[tilespmem:$0xC7E0] =	vst v4  }
0x36: {  	[tilespmem:$0xC7F0] =	vst v4  }
0x37: {  	[tilespmem:$0xC800] =	vst v4  }
0x38: {  	[tilespmem:$0xC810] =	vst v4  }
0x39: {  	[tilespmem:$0xC820] =	vst v4  }
0x3a: {  	[tilespmem:$0xC830] =	vst v4  }
0x3b: {  	[tilespmem:$0xC840] =	vst v4  }
0x3c: {  	[tilespmem:$0xC850] =	vst v4  }
0x3d: {  	[tilespmem:$0xC860] =	vst v4  }
0x3e: {  	[dreg:$0x8] =	wrdreg s5;
	[tilespmem:$0xC870] =	vst v4;
	p1 =	por $0x1, $0x1;
	s2 =	simm.s32 $0x0  }
.LBB2_2:
0x3f: {  	[spmem:s13] =	stream.linear.scatter [tilespmem:s19], [sflag:$0x2], $0x280, $0x38;
	[tilespmem:$0x10090] =	vst v63  }
0x40: {  	_ =	swait.ge [sflag:s20], $0x280  }
0x41: {  	s2 =	sor.u32 s12, s2;
	[sflag:s20] =	ssyncset.done $0x0  }
0x42: {  	s5 =	smul.u32 $0x4E200, s2;
	[sflag:s20] =	ssyncadd.s32 $0xFFFFFD80  }
0x43: {  	[spmem:s14] =	stream.linear.scatter [tilespmem:s19], [sflag:$0x2], $0x280, $0x38;
	[tilespmem:$0x10090] =	vst v63  }
0x44: {  	s6 =	sadd.s32 s11, s5;
	_ =	swait.ge [sflag:s20], $0x280  }
0x45: {  	s6 =	sshrl.u32 s6, $0x3;
	[sflag:s20] =	ssyncset.done $0x0  }
0x46: {  	s21 =	simm.s32 $0x0;
	s6 =	sadd.s32 s1, s6;
	[sflag:s20] =	ssyncadd.s32 $0xFFFFFD80  }
0x47: {  	[tilespmem:s21], [sflag:$0x2] =	stream.linear.gather [hbm4b:s6+s21], $0x2710, $0x38;
	[tilespmem:$0x10090] =	vst v63  }
0x48: {  	s5 =	sadd.s32 s15, s5;
	_ =	swait.ge [sflag:s20], $0x2710  }
0x49: {  	s18 =	simm.s32 $0x2780;
	s5 =	sshrl.u32 s5, $0x3;
	[sflag:s20] =	ssyncset.done $0x0  }
0x4a: {  	s2 =	smul.u32 $0x2800, s2;
	s5 =	sadd.s32 s1, s5;
	[sflag:s20] =	ssyncadd.s32 $0xFFFFD8F0  }
0x4b: {  	[tilespmem:s18], [sflag:$0x2] =	stream.linear.gather [hbm4b:s5+s21], $0x2710, $0x38;
	[tilespmem:$0x10090] =	vst v63  }
0x4c: {  	s2 =	sadd.s32 s9, s2;
	_ =	swait.ge [sflag:s20], $0x2710  }
0x4d: {  	s18 =	sshrl.u32 s2, $0x3;
	[sflag:s20] =	ssyncset.done $0x0  }
0x4e: {  	s22 =	simm.s32 $0xB700;
	s2 =	sadd.s32 s8, s18;
	[sflag:s20] =	ssyncadd.s32 $0xFFFFD8F0  }
0x4f: {  	[tilespmem:s22], [sflag:$0x2] =	stream.linear.gather [hbm4b:s2+s21], $0x280, $0x38;
	[tilespmem:$0x10090] =	vst v63  }
0x50: {  	_ =	swait.ge [sflag:s20], $0x280  }
0x51: {  	[sflag:s20] =	ssyncset.done $0x0  }
0x52: {  	s23 =	simm.s32 $0x0;
	[sflag:s20] =	ssyncadd.s32 $0xFFFFFD80  }
0x53: {  	v8 =	vld [tilespmem:s23+$0x0]  }
0x54: {  	v9 =	vld [tilespmem:s23+$0x2780];
	_ =	sdelay $0x1  }
0x55: {  	p0 =	por p1, p1;
	v7 =	vimm.s32 $0x7FFFFFFF;
	s2 =	simm.s32 $0x40  }
.LBB2_3:
0x56: {  	p1 =	sne.s32 s2, $0x9C00  }
.Ltmp0:
0x57: {  	s5 =	sshra.s32 s2, $0x2;
	v10 =	vmov v8;
	(pc) =	sbr.rel @p1 .LBB2_3-.Ltmp0, $4  }
0x58: {  	s2 =	sadd.s32 $0x40, s2;
	v8 =	vld [tilespmem:s5+$0x0];
	vm0 =	vlt.s32 v10, v9  }
0x59: {  	v10 =	vsel vm0, v10, v9;
	v9 =	vld [tilespmem:s5+$0x2780]  }
0x5a: {  	vm0 =	vlt.s32 v7, v10  }
0x5b: {  	v7 =	vsel vm0, v7, v10  }
0x5c: {  	_ =	sdelay $0x1  }
0x5d: {  	vm0 =	vlt.s32 v8, v9  }
0x5e: {  	v8 =	vsel vm0, v8, v9  }
0x5f: {  	vm0 =	vlt.s32 v7, v8  }
0x60: {  	v7 =	vsel vm0, v7, v8  }
0x61: {  	s2 =	simm.s32 $0xC880;
	[tilespmem:$0xC880] =	vst v7  }
0x62: {  	[spmem:s16] =	stream.linear.scatter [tilespmem:s2], [sflag:$0x2], $0x80, $0x38;
	[tilespmem:$0x10090] =	vst v63  }
0x63: {  	_ =	swait.ge [sflag:s20], $0x80  }
0x64: {  	[sflag:s20] =	ssyncset.done $0x0  }
0x65: {  	[sflag:s20] =	ssyncadd.s32 $0xFFFFFF80  }
0x66: {  	[bflag:$0x0] =	sbarrier.arrive $0xFFFF  }
0x67: {  	s22 =	rddreg [dreg:$0x2]  }
0x68: {  	[tilespmem:s24], [sflag:$0x2] =	stream.linear.gather [spmem:s22], $0x800, $0x38;
	[tilespmem:$0x10090] =	vst v63  }
0x69: {  	_ =	swait.ge [sflag:s20], $0x800  }
0x6a: {  	[sflag:s20] =	ssyncset.done $0x0  }
0x6b: {  	[sflag:s20] =	ssyncadd.s32 $0xFFFFF800  }
0x6c: {  	v7 =	vld [tilespmem:$0xC900]  }
0x6d: {  	v8 =	vld [tilespmem:$0xC980];
	_ =	sdelay $0x1  }
0x6e: {  	v54 =	vld [tilespmem:$0xCA00];
	_ =	sdelay $0x1  }
0x6f: {  	v10 =	vld [tilespmem:$0xCA80]  }
0x70: {  	vm15 =	vlt.s32 v7, v8  }
0x71: {  	v7 =	vsel vm15, v7, v8;
	v8 =	vld [tilespmem:$0xCB00]  }
0x72: {  	vm0 =	vlt.s32 v7, v54  }
0x73: {  	v55 =	vld [tilespmem:$0xCB80];
	v7 =	vsel vm0, v7, v54  }
0x74: {  	vm0 =	vlt.s32 v7, v10  }
0x75: {  	v56 =	vld [tilespmem:$0xCC00];
	v7 =	vsel vm0, v7, v10  }
0x76: {  	vm0 =	vlt.s32 v7, v8  }
0x77: {  	v7 =	vsel vm0, v7, v8;
	v8 =	vld [tilespmem:$0xCC80]  }
0x78: {  	vm0 =	vlt.s32 v7, v55  }
0x79: {  	v57 =	vld [tilespmem:$0xCD00];
	v7 =	vsel vm0, v7, v55  }
0x7a: {  	vm0 =	vlt.s32 v7, v56  }
0x7b: {  	v58 =	vld [tilespmem:$0xCD80];
	v7 =	vsel vm0, v7, v56  }
0x7c: {  	vm0 =	vlt.s32 v7, v8  }
0x7d: {  	v7 =	vsel vm0, v7, v8;
	v8 =	vld [tilespmem:$0xCE00]  }
0x7e: {  	vm0 =	vlt.s32 v7, v57  }
0x7f: {  	v59 =	vld [tilespmem:$0xCE80];
	v7 =	vsel vm0, v7, v57  }
0x80: {  	vm0 =	vlt.s32 v7, v58  }
0x81: {  	v60 =	vld [tilespmem:$0xCF00];
	v7 =	vsel vm0, v7, v58  }
0x82: {  	vm0 =	vlt.s32 v7, v8  }
0x83: {  	v7 =	vsel vm0, v7, v8;
	v8 =	vld [tilespmem:$0xCF80]  }
0x84: {  	vm0 =	vlt.s32 v7, v59  }
0x85: {  	v61 =	vld [tilespmem:$0xD000];
	v7 =	vsel vm0, v7, v59  }
0x86: {  	vm0 =	vlt.s32 v7, v60  }
0x87: {  	v62 =	vld [tilespmem:$0xD080];
	v7 =	vsel vm0, v7, v60  }
0x88: {  	vm0 =	vlt.s32 v7, v8  }
0x89: {  	v7 =	vsel vm0, v7, v8  }
0x8a: {  	vm0 =	vlt.s32 v7, v61  }
0x8b: {  	v7 =	vsel vm0, v7, v61  }
0x8c: {  	vm0 =	vlt.s32 v7, v62  }
0x8d: {  	v7 =	vsel vm0, v7, v62  }
0x8e: {  	v8 =	vperm.xlane v7, v0;
	_ =	sdelay $0x1  }
0x8f: {  	vm0 =	vlt.s32 v7, v8  }
0x90: {  	v7 =	vsel vm0, v7, v8  }
0x91: {  	v8 =	vperm.xlane v7, v1;
	_ =	sdelay $0x1  }
0x92: {  	vm0 =	vlt.s32 v7, v8  }
0x93: {  	v7 =	vsel vm0, v7, v8  }
0x94: {  	v8 =	vperm.xlane v7, v3;
	_ =	sdelay $0x1  }
0x95: {  	s23 =	simm.s32 $0x40;
	vm0 =	vlt.s32 v7, v8  }
0x96: {  	v7 =	vsel vm0, v7, v8;
	v8 =	vld [tilespmem:s23+$0x2740]  }
0x97: {  	v63 =	vperm.xlane v7, v5;
	_ =	sdelay $0x1  }
0x98: {  	vm0 =	vlt.s32 v7, v63  }
0x99: {  	v7 =	vsel vm0, v7, v63  }
0x9a: {  	s6 =	simm.s32 $0x4F00;
	v8 =	vsub.s32 v8, v7  }
0x9b: {  	[tilespmem:s6+$0x0] =	vst v8  }
0x9c: {  	v8 =	vld [tilespmem:s23+$0x2750];
	_ =	sdelay $0x4  }
0x9d: {  	v8 =	vsub.s32 v8, v7  }
0x9e: {  	[tilespmem:s6+$0x10] =	vst v8  }
0x9f: {  	v8 =	vld [tilespmem:s23+$0x2760];
	_ =	sdelay $0x4  }
0xa0: {  	v8 =	vsub.s32 v8, v7  }
0xa1: {  	[tilespmem:s6+$0x20] =	vst v8  }
0xa2: {  	v8 =	vld [tilespmem:s23+$0x2770];
	_ =	sdelay $0x4  }
0xa3: {  	v8 =	vsub.s32 v8, v7  }
0xa4: {  	[tilespmem:s6+$0x30] =	vst v8  }
0xa5: {  	v8 =	vld [tilespmem:s23+$0x2780];
	_ =	sdelay $0x4  }
0xa6: {  	v8 =	vsub.s32 v8, v7  }
0xa7: {  	s5 =	simm.s32 $0x90;
	s21 =	simm.s32 $0x380;
	s2 =	simm.s32 $0x4F80;
	[tilespmem:s6+$0x40] =	vst v8  }
.LBB2_5:
0xa8: {  	[spmem:s3] =	stream.indirect.scatter.add.f32 [tilespmem:s26], [sflag:$0x1], $0x1, s6, s25, $0xb8;
	[tilespmem:$0x10090] =	vst v63  }
0xa9: {  	s22 =	sshra.s32 s21, $0x2;
	p1 =	sne.s32 s21, $0x9C00;
	s21 =	sadd.s32 $0x140, s21;
	v8 =	vld [tilespmem:s5+$0x2740]  }
0xaa: {  	s6 =	smov.u32 s2;
	_ =	sdelay $0x3  }
0xab: {  	v8 =	vsub.s32 v8, v7  }
0xac: {  	[tilespmem:s2+$0x0] =	vst v8  }
0xad: {  	v8 =	vld [tilespmem:s5+$0x2750];
	_ =	sdelay $0x4  }
0xae: {  	v8 =	vsub.s32 v8, v7  }
0xaf: {  	[tilespmem:s2+$0x10] =	vst v8  }
0xb0: {  	v8 =	vld [tilespmem:s5+$0x2760];
	_ =	sdelay $0x4  }
0xb1: {  	v8 =	vsub.s32 v8, v7  }
0xb2: {  	[tilespmem:s2+$0x20] =	vst v8  }
0xb3: {  	v8 =	vld [tilespmem:s5+$0x2770];
	_ =	sdelay $0x4  }
0xb4: {  	v8 =	vsub.s32 v8, v7  }
0xb5: {  	[tilespmem:s2+$0x30] =	vst v8  }
0xb6: {  	v8 =	vld [tilespmem:s5+$0x2780];
	s5 =	smov.u32 s22;
	_ =	sdelay $0x1  }
.Ltmp1:
0xb7: {  	(pc) =	sbr.rel @p1 .LBB2_5-.Ltmp1, $3  }
0xb8: {  	_ =	sdelay $0x1  }
0xb9: {  	v8 =	vsub.s32 v8, v7  }
0xba: {  	s2 =	sadd.s32 $0x80, s2;
	[tilespmem:s6+$0x40] =	vst v8  }
0xbb: {  	[spmem:s3] =	stream.indirect.scatter.add.f32 [tilespmem:s26], [sflag:$0x1], $0x1, s6, s25, $0xb8;
	[tilespmem:$0x10090] =	vst v63  }
0xbc: {  	v8 =	vld [tilespmem:s5+$0x2740];
	_ =	sdelay $0x4  }
0xbd: {  	v8 =	vsub.s32 v8, v7  }
0xbe: {  	[tilespmem:s2+$0x0] =	vst v8  }
0xbf: {  	v8 =	vld [tilespmem:s5+$0x2750];
	_ =	sdelay $0x4  }
0xc0: {  	v8 =	vsub.s32 v8, v7  }
0xc1: {  	[tilespmem:s2+$0x10] =	vst v8  }
0xc2: {  	v8 =	vld [tilespmem:s5+$0x2760];
	_ =	sdelay $0x4  }
0xc3: {  	v8 =	vsub.s32 v8, v7  }
0xc4: {  	[tilespmem:s2+$0x20] =	vst v8  }
0xc5: {  	v8 =	vld [tilespmem:s5+$0x2770];
	_ =	sdelay $0x4  }
0xc6: {  	v8 =	vsub.s32 v8, v7  }
0xc7: {  	[tilespmem:s2+$0x30] =	vst v8  }
0xc8: {  	v8 =	vld [tilespmem:s5+$0x2780];
	_ =	sdelay $0x4  }
0xc9: {  	v8 =	vsub.s32 v8, v7  }
0xca: {  	[tilespmem:s2+$0x40] =	vst v8  }
0xcb: {  	[spmem:s3] =	stream.indirect.scatter.add.f32 [tilespmem:s26], [sflag:$0x1], $0x1, s2, s25, $0xb8;
	[tilespmem:$0x10090] =	vst v63  }
0xcc: {  	_ =	swait.ge [sflag:s28], $0x2710  }
0xcd: {  	[sflag:s28] =	ssyncset.done $0x0  }
0xce: {  	[sflag:s28] =	ssyncadd.s32 $0xFFFFD8F0  }
0xcf: {  	[bflag:$0x0] =	sbarrier.arrive $0xFFFF  }
0xd0: {  	[tilespmem:s29], [sflag:$0x2] =	stream.linear.gather [spmem:s13], $0x280, $0x38;
	[tilespmem:$0x10090] =	vst v63  }
0xd1: {  	_ =	swait.ge [sflag:s20], $0x280  }
0xd2: {  	[sflag:s20] =	ssyncset.done $0x0  }
0xd3: {  	s5 =	simm.s32 $0x0;
	[sflag:s20] =	ssyncadd.s32 $0xFFFFFD80  }
0xd4: {  	v8 =	vld [tilespmem:s5+$0xB980];
	_ =	sdelay $0x4  }
0xd5: {  	v8 =	vadd.f32 $1.000000000e+00, v8;
	_ =	sdelay $0x1  }
0xd6: {  	vm0 =	vge.f32 v8, $4.000000000e+00  }
0xd7: {  	v9 =	vsel vm0, $0x3E800000, v6;
	vm0 =	vge.f32 v8, $1.600000000e+01  }
0xd8: {  	vm1 =	vge.f32 v8, $6.400000000e+01;
	v9 =	vsel vm0, $0x3E000000, v9  }
0xd9: {  	vm0 =	vge.f32 v8, $2.560000000e+02;
	v9 =	vsel vm1, $0x3D800000, v9  }
0xda: {  	vm1 =	vge.f32 v8, $1.024000000e+03;
	v9 =	vsel vm0, $0x3D000000, v9  }
0xdb: {  	vm0 =	vge.f32 v8, $4.096000000e+03;
	v9 =	vsel vm1, $0x3C800000, v9  }
0xdc: {  	vm1 =	vge.f32 v8, $1.638400000e+04;
	v9 =	vsel vm0, $0x3C000000, v9  }
0xdd: {  	s2 =	simm.s32 $0x10;
	v10 =	vmul.f32 $5.000000000e-01, v8;
	vm0 =	vge.f32 v8, $6.553600000e+04;
	v9 =	vsel vm1, $0x3B800000, v9  }
0xde: {  	v8 =	vld [tilespmem:s2+$0xB980];
	v9 =	vsel vm0, $0x3B000000, v9  }
0xdf: {  	v11 =	vmul.f32 v9, v10;
	_ =	sdelay $0x1  }
0xe0: {  	v11 =	vmul.f32 v11, v9;
	_ =	sdelay $0x1  }
0xe1: {  	v8 =	vadd.f32 $1.000000000e+00, v8;
	v11 =	vsub.f32 $1.500000000e+00, v11;
	_ =	sdelay $0x1  }
0xe2: {  	vm0 =	vge.f32 v8, $4.000000000e+00;
	v9 =	vmul.f32 v11, v9  }
0xe3: {  	v11 =	vsel vm0, $0x3E800000, v6;
	vm0 =	vge.f32 v8, $1.600000000e+01  }
0xe4: {  	vm1 =	vge.f32 v8, $6.400000000e+01;
	v11 =	vsel vm0, $0x3E000000, v11;
	v12 =	vmul.f32 v9, v10  }
0xe5: {  	vm0 =	vge.f32 v8, $2.560000000e+02;
	v11 =	vsel vm1, $0x3D800000, v11  }
0xe6: {  	vm1 =	vge.f32 v8, $1.024000000e+03;
	v11 =	vsel vm0, $0x3D000000, v11;
	v12 =	vmul.f32 v12, v9  }
0xe7: {  	vm0 =	vge.f32 v8, $4.096000000e+03;
	v11 =	vsel vm1, $0x3C800000, v11  }
0xe8: {  	vm1 =	vge.f32 v8, $1.638400000e+04;
	v11 =	vsel vm0, $0x3C000000, v11;
	v12 =	vsub.f32 $1.500000000e+00, v12  }
0xe9: {  	s6 =	simm.s32 $0x20;
	vm0 =	vge.f32 v8, $6.553600000e+04;
	v8 =	vmul.f32 $5.000000000e-01, v8;
	v11 =	vsel vm1, $0x3B800000, v11  }
0xea: {  	v13 =	vld [tilespmem:s6+$0xB980];
	v11 =	vsel vm0, $0x3B000000, v11;
	v9 =	vmul.f32 v12, v9  }
0xeb: {  	v12 =	vmul.f32 v11, v8  }
0xec: {  	v14 =	vmul.f32 v9, v10  }
0xed: {  	v12 =	vmul.f32 v12, v11  }
0xee: {  	v14 =	vmul.f32 v14, v9  }
0xef: {  	v13 =	vadd.f32 $1.000000000e+00, v13;
	v12 =	vsub.f32 $1.500000000e+00, v12  }
0xf0: {  	v14 =	vsub.f32 $1.500000000e+00, v14  }
0xf1: {  	vm2 =	vge.f32 v13, $6.400000000e+01;
	vm1 =	vge.f32 v13, $4.000000000e+00;
	v11 =	vmul.f32 v12, v11  }
0xf2: {  	v12 =	vsel vm1, $0x3E800000, v6;
	vm1 =	vge.f32 v13, $1.600000000e+01;
	v14 =	vmul.f32 v14, v9  }
0xf3: {  	vm0 =	vge.f32 v13, $6.553600000e+04;
	v9 =	vsel vm1, $0x3E000000, v12;
	v12 =	vmul.f32 v11, v8  }
0xf4: {  	vm1 =	vge.f32 v13, $2.560000000e+02;
	v9 =	vsel vm2, $0x3D800000, v9;
	v15 =	vmul.f32 v14, v10  }
0xf5: {  	s21 =	simm.s32 $0x30;
	vm2 =	vge.f32 v13, $1.024000000e+03;
	v9 =	vsel vm1, $0x3D000000, v9;
	v12 =	vmul.f32 v12, v11  }
0xf6: {  	v16 =	vld [tilespmem:s21+$0xB980];
	vm1 =	vge.f32 v13, $4.096000000e+03;
	v9 =	vsel vm2, $0x3C800000, v9;
	v15 =	vmul.f32 v15, v14  }
0xf7: {  	vm2 =	vge.f32 v13, $1.638400000e+04;
	v9 =	vsel vm1, $0x3C000000, v9;
	v12 =	vsub.f32 $1.500000000e+00, v12  }
0xf8: {  	v17 =	vsel vm2, $0x3B800000, v9;
	v9 =	vmul.f32 $5.000000000e-01, v13;
	v13 =	vsub.f32 $1.500000000e+00, v15  }
0xf9: {  	v15 =	vsel vm0, $0x3B000000, v17;
	v11 =	vmul.f32 v12, v11  }
0xfa: {  	v12 =	vmul.f32 v15, v9;
	v14 =	vmul.f32 v13, v14  }
0xfb: {  	v16 =	vadd.f32 $1.000000000e+00, v16;
	v13 =	vmul.f32 v11, v8  }
0xfc: {  	v12 =	vmul.f32 v12, v15;
	v17 =	vmul.f32 v14, v10  }
0xfd: {  	vm3 =	vge.f32 v16, $1.024000000e+03;
	v13 =	vmul.f32 v13, v11  }
0xfe: {  	vm4 =	vge.f32 v16, $4.000000000e+00;
	v12 =	vsub.f32 $1.500000000e+00, v12;
	v17 =	vmul.f32 v17, v14  }
0xff: {  	vm15 =	vge.f32 v16, $1.600000000e+01;
	vm1 =	vge.f32 v16, $1.638400000e+04;
	v18 =	vsub.f32 $1.500000000e+00, v13  }
0x100: {  	vm2 =	vge.f32 v16, $6.400000000e+01;
	v13 =	vmul.f32 v12, v15;
	v15 =	vsub.f32 $1.500000000e+00, v17  }
0x101: {  	vm0 =	vge.f32 v16, $6.553600000e+04;
	v17 =	vsel vm4, $0x3E800000, v6;
	v12 =	vmul.f32 v18, v11  }
0x102: {  	v17 =	vsel vm15, $0x3E000000, v17;
	v18 =	vmul.f32 v13, v9;
	v11 =	vmul.f32 v15, v14  }
0x103: {  	v14 =	vsel vm2, $0x3D800000, v17;
	vm2 =	vge.f32 v16, $2.560000000e+02;
	v15 =	vmul.f32 v12, v8  }
0x104: {  	s22 =	simm.s32 $0x40;
	v14 =	vsel vm2, $0x3D000000, v14;
	v18 =	vmul.f32 v18, v13;
	v10 =	vmul.f32 v11, v10  }
0x105: {  	v17 =	vld [tilespmem:s22+$0xB980];
	vm2 =	vge.f32 v16, $4.096000000e+03;
	v14 =	vsel vm3, $0x3C800000, v14;
	v20 =	vmul.f32 v15, v12  }
0x106: {  	v14 =	vsel vm2, $0x3C000000, v14;
	v18 =	vsub.f32 $1.500000000e+00, v18;
	v15 =	vmul.f32 v10, v11  }
0x107: {  	s23 =	simm.s32 $0x140;
	v19 =	vsel vm1, $0x3B800000, v14;
	v10 =	vmul.f32 $5.000000000e-01, v16;
	v16 =	vsub.f32 $1.500000000e+00, v20;
	v14 =	vld [tilespmem:s5+$0xB700]  }
.LBB2_7:
0x108: {  	p1 =	sne.s32 s23, $0x9C0;
	v19 =	vsel vm0, $0x3B000000, v19;
	v18 =	vmul.f32 v18, v13;
	v13 =	vsub.f32 $1.500000000e+00, v15  }
0x109: {  	v15 =	vmul.f32 v19, v10;
	v16 =	vmul.f32 v16, v12  }
0x10a: {  	v20 =	vadd.f32 $1.000000000e+00, v17;
	v12 =	vmul.f32 v18, v9;
	v11 =	vmul.f32 v13, v11  }
0x10b: {  	v13 =	vmul.f32 v15, v19;
	v15 =	vmul.f32 v16, v8  }
0x10c: {  	vm0 =	vge.f32 v20, $6.553600000e+04;
	v12 =	vmul.f32 v12, v18;
	[tilespmem:s5+$0xBE80] =	vst v11;
	v11 =	vmul.f32 v11, v14  }
0x10d: {  	vm1 =	vge.f32 v20, $1.638400000e+04;
	v13 =	vsub.f32 $1.500000000e+00, v13;
	v14 =	vmul.f32 v15, v16  }
0x10e: {  	vm2 =	vge.f32 v20, $6.400000000e+01;
	vm3 =	vge.f32 v20, $1.024000000e+03;
	v12 =	vsub.f32 $1.500000000e+00, v12;
	[tilespmem:s5+$0xBC00] =	vst v11;
	s5 =	smov.u32 s2;
	s2 =	smov.u32 s6;
	s6 =	smov.u32 s21  }
0x10f: {  	vm4 =	vge.f32 v20, $4.000000000e+00;
	s21 =	smov.u32 s22;
	v13 =	vmul.f32 v13, v19;
	v11 =	vsub.f32 $1.500000000e+00, v14  }
0x110: {  	v14 =	vsel vm4, $0x3E800000, v6;
	vm4 =	vge.f32 v20, $1.600000000e+01;
	v12 =	vmul.f32 v12, v18  }
0x111: {  	v14 =	vsel vm4, $0x3E000000, v14;
	v15 =	vmul.f32 v13, v10;
	v11 =	vmul.f32 v11, v16  }
.Ltmp2:
0x112: {  	v14 =	vsel vm2, $0x3D800000, v14;
	vm2 =	vge.f32 v20, $2.560000000e+02;
	v16 =	vmul.f32 v12, v9;
	(pc) =	sbr.rel @p1 .LBB2_7-.Ltmp2, $4  }
0x113: {  	s22 =	sshra.s32 s23, $0x2;
	v14 =	vsel vm2, $0x3D000000, v14;
	v15 =	vmul.f32 v15, v13;
	v19 =	vmul.f32 v11, v8;
	v8 =	vmovc v9;
	v9 =	vmovc v10  }
0x114: {  	vm2 =	vge.f32 v20, $4.096000000e+03;
	v10 =	vsel vm3, $0x3C800000, v14;
	v17 =	vld [tilespmem:s22+$0xB980];
	v14 =	vmul.f32 v16, v12  }
0x115: {  	v10 =	vsel vm2, $0x3C000000, v10;
	v18 =	vsub.f32 $1.500000000e+00, v15;
	v15 =	vmul.f32 v19, v11  }
0x116: {  	s23 =	sadd.s32 $0x40, s23;
	v19 =	vsel vm1, $0x3B800000, v10;
	v10 =	vmul.f32 $5.000000000e-01, v20;
	v16 =	vsub.f32 $1.500000000e+00, v14;
	v14 =	vld [tilespmem:s5+$0xB700]  }
0x117: {  	_ =	sdelay $0x1  }
0x118: {  	v17 =	vadd.f32 $1.000000000e+00, v17;
	_ =	sdelay $0x1  }
0x119: {  	v19 =	vsel vm0, $0x3B000000, v19;
	vm9 =	vge.f32 v17, $4.000000000e+00  }
0x11a: {  	v20 =	vmul.f32 v19, v10;
	vm10 =	vge.f32 v17, $1.600000000e+01;
	v21 =	vsel vm9, $0x3E800000, v6  }
0x11b: {  	vm11 =	vge.f32 v17, $6.400000000e+01;
	v21 =	vsel vm10, $0x3E000000, v21  }
0x11c: {  	v20 =	vmul.f32 v20, v19;
	vm12 =	vge.f32 v17, $2.560000000e+02;
	v21 =	vsel vm11, $0x3D800000, v21  }
0x11d: {  	v13 =	vmul.f32 v18, v13;
	vm1 =	vge.f32 v17, $1.024000000e+03;
	v39 =	vsel vm12, $0x3D000000, v21  }
0x11e: {  	vm13 =	vge.f32 v17, $4.096000000e+03;
	v20 =	vsub.f32 $1.500000000e+00, v20;
	v18 =	vsel vm1, $0x3C800000, v39  }
0x11f: {  	vm14 =	vge.f32 v17, $6.553600000e+04;
	vm15 =	vge.f32 v17, $1.638400000e+04;
	v18 =	vsel vm13, $0x3C000000, v18  }
0x120: {  	v17 =	vmul.f32 $5.000000000e-01, v17;
	v19 =	vmul.f32 v20, v19;
	v18 =	vsel vm15, $0x3B800000, v18  }
0x121: {  	v40 =	vmul.f32 v13, v9;
	v18 =	vsel vm14, $0x3B000000, v18  }
0x122: {  	v41 =	vmul.f32 v19, v10;
	v22 =	vmul.f32 v18, v17  }
0x123: {  	v20 =	vmul.f32 v40, v13  }
0x124: {  	v21 =	vmul.f32 v41, v19;
	v22 =	vmul.f32 v22, v18  }
0x125: {  	v15 =	vsub.f32 $1.500000000e+00, v15;
	v42 =	vsub.f32 $1.500000000e+00, v20  }
0x126: {  	v12 =	vmul.f32 v16, v12;
	v43 =	vsub.f32 $1.500000000e+00, v21;
	v44 =	vsub.f32 $1.500000000e+00, v22  }
0x127: {  	v11 =	vmul.f32 v15, v11;
	v13 =	vmul.f32 v42, v13  }
0x128: {  	v46 =	vmul.f32 v43, v19;
	v18 =	vmul.f32 v44, v18  }
0x129: {  	v45 =	vmul.f32 v12, v8;
	v48 =	vmul.f32 v13, v9  }
0x12a: {  	v49 =	vmul.f32 v46, v10;
	v50 =	vmul.f32 v18, v17  }
0x12b: {  	v47 =	vmul.f32 v45, v12;
	v20 =	vmul.f32 v48, v13  }
0x12c: {  	v21 =	vmul.f32 v49, v46;
	v22 =	vmul.f32 v50, v18  }
0x12d: {  	v19 =	vsub.f32 $1.500000000e+00, v47;
	v51 =	vsub.f32 $1.500000000e+00, v20  }
0x12e: {  	v14 =	vmul.f32 v11, v14;
	v52 =	vsub.f32 $1.500000000e+00, v21;
	v53 =	vsub.f32 $1.500000000e+00, v22  }
0x12f: {  	v12 =	vmul.f32 v19, v12;
	v13 =	vmul.f32 v51, v13  }
0x130: {  	v54 =	vmul.f32 v52, v46;
	v55 =	vmul.f32 v53, v18  }
0x131: {  	v8 =	vmul.f32 v12, v8;
	v56 =	vmul.f32 v13, v9  }
0x132: {  	[tilespmem:s5+$0xBE80] =	vst v11;
	v11 =	vmul.f32 v54, v10;
	v57 =	vmul.f32 v55, v17  }
0x133: {  	[tilespmem:s5+$0xBC00] =	vst v14;
	v8 =	vmul.f32 v8, v12;
	v58 =	vmul.f32 v56, v13  }
0x134: {  	v59 =	vld [tilespmem:s2+$0xB700];
	v11 =	vmul.f32 v11, v54;
	v19 =	vmul.f32 v57, v55  }
0x135: {  	v8 =	vsub.f32 $1.500000000e+00, v8;
	v14 =	vsub.f32 $1.500000000e+00, v58  }
0x136: {  	v11 =	vsub.f32 $1.500000000e+00, v11;
	v19 =	vsub.f32 $1.500000000e+00, v19  }
0x137: {  	v8 =	vmul.f32 v8, v12;
	v60 =	vmul.f32 v14, v13  }
0x138: {  	v11 =	vmul.f32 v11, v54;
	v61 =	vmul.f32 v19, v55  }
0x139: {  	v62 =	vmul.f32 v8, v59;
	v9 =	vmul.f32 v60, v9  }
0x13a: {  	[tilespmem:s2+$0xBE80] =	vst v8;
	v8 =	vmul.f32 v11, v10;
	v63 =	vmul.f32 v61, v17  }
0x13b: {  	[tilespmem:s2+$0xBC00] =	vst v62;
	v9 =	vmul.f32 v9, v60  }
0x13c: {  	v14 =	vld [tilespmem:s6+$0xB700];
	v8 =	vmul.f32 v8, v11;
	v15 =	vmul.f32 v63, v61  }
0x13d: {  	v9 =	vsub.f32 $1.500000000e+00, v9  }
0x13e: {  	v8 =	vsub.f32 $1.500000000e+00, v8;
	v15 =	vsub.f32 $1.500000000e+00, v15  }
0x13f: {  	v9 =	vmul.f32 v9, v60  }
0x140: {  	v8 =	vmul.f32 v8, v11;
	v11 =	vmul.f32 v15, v61  }
0x141: {  	v12 =	vmul.f32 v9, v14  }
0x142: {  	v10 =	vmul.f32 v8, v10;
	v13 =	vmul.f32 v11, v17  }
0x143: {  	[tilespmem:s6+$0xBE80] =	vst v9  }
0x144: {  	[tilespmem:s6+$0xBC00] =	vst v12;
	v9 =	vmul.f32 v10, v8;
	v10 =	vmul.f32 v13, v11  }
0x145: {  	v12 =	vld [tilespmem:s21+$0xB700]  }
0x146: {  	v9 =	vsub.f32 $1.500000000e+00, v9;
	v10 =	vsub.f32 $1.500000000e+00, v10;
	_ =	sdelay $0x1  }
0x147: {  	v8 =	vmul.f32 v9, v8;
	v9 =	vmul.f32 v10, v11;
	_ =	sdelay $0x1  }
0x148: {  	v10 =	vmul.f32 v8, v12;
	v11 =	vmul.f32 v9, v17  }
0x149: {  	[tilespmem:s21+$0xBE80] =	vst v8  }
0x14a: {  	[tilespmem:s21+$0xBC00] =	vst v10;
	v8 =	vmul.f32 v11, v9  }
0x14b: {  	v10 =	vld [tilespmem:s22+$0xB700]  }
0x14c: {  	v8 =	vsub.f32 $1.500000000e+00, v8;
	_ =	sdelay $0x1  }
0x14d: {  	v8 =	vmul.f32 v8, v9;
	_ =	sdelay $0x1  }
0x14e: {  	v9 =	vmul.f32 v8, v10  }
0x14f: {  	[tilespmem:s22+$0xBE80] =	vst v8  }
0x150: {  	[tilespmem:s22+$0xBC00] =	vst v9  }
0x151: {  	[spmem:s17] =	stream.linear.scatter [tilespmem:s30], [sflag:$0x2], $0x280, $0x38;
	[tilespmem:$0x10090] =	vst v63  }
0x152: {  	_ =	swait.ge [sflag:s20], $0x280  }
0x153: {  	[sflag:s20] =	ssyncset.done $0x0  }
0x154: {  	[sflag:s20] =	ssyncadd.s32 $0xFFFFFD80  }
0x155: {  	[bflag:$0x0] =	sbarrier.arrive $0xFFFF  }
0x156: {  	s21 =	rddreg [dreg:$0x5]  }
0x157: {  	[tilespmem:s31], [sflag:$0x2] =	stream.linear.gather [spmem:s21], $0x2800, $0x38;
	[tilespmem:$0x10090] =	vst v63  }
0x158: {  	_ =	swait.ge [sflag:s20], $0x2800  }
0x159: {  	[sflag:s20] =	ssyncset.done $0x0  }
0x15a: {  	s22 =	simm.s32 $0x0;
	[sflag:s20] =	ssyncadd.s32 $0xFFFFD800  }
0x15b: {  	v8 =	vld [tilespmem:s22+$0x0];
	_ =	sdelay $0x4  }
0x15c: {  	v8 =	vsub.s32 v8, v7  }
0x15d: {  	v9 =	vld [tilespmem:s22+$0x10];
	_ =	sdelay $0x3  }
0x15e: {  	v8 =	vld.idx.msk [tilespmem:v8+s31+$0x0], $0xffff  }
0x15f: {  	v9 =	vsub.s32 v9, v7  }
0x160: {  	v10 =	vld [tilespmem:s22+$0x20];
	_ =	sdelay $0x2  }
0x161: {  	[tilespmem:s22+$0x8F80] =	vst v8  }
0x162: {  	v8 =	vld.idx.msk [tilespmem:v9+s31+$0x0], $0xffff  }
0x163: {  	v9 =	vsub.s32 v10, v7  }
0x164: {  	v10 =	vld [tilespmem:s22+$0x30];
	_ =	sdelay $0x2  }
0x165: {  	[tilespmem:s22+$0x8F90] =	vst v8  }
0x166: {  	v8 =	vld.idx.msk [tilespmem:v9+s31+$0x0], $0xffff  }
0x167: {  	v9 =	vsub.s32 v10, v7  }
0x168: {  	v10 =	vld [tilespmem:s22+$0x40];
	_ =	sdelay $0x2  }
0x169: {  	[tilespmem:s22+$0x8FA0] =	vst v8  }
0x16a: {  	v8 =	vld.idx.msk [tilespmem:v9+s31+$0x0], $0xffff  }
0x16b: {  	v9 =	vsub.s32 v10, v7;
	_ =	sdelay $0x3  }
0x16c: {  	[tilespmem:s22+$0x8FB0] =	vst v8  }
0x16d: {  	v8 =	vld.idx.msk [tilespmem:v9+s31+$0x0], $0xffff;
	_ =	sdelay $0x4  }
0x16e: {  	s23 =	simm.s32 $0x8F80;
	s5 =	simm.s32 $0x50;
	s2 =	simm.s32 $0x4F00;
	[tilespmem:s22+$0x8FC0] =	vst v8  }
0x16f: {  	[spmem:s4] =	stream.indirect.scatter.add.f32 [tilespmem:s23], [sflag:$0x1], $0x1, s2, s25, $0xb8;
	[tilespmem:$0x10090] =	vst v63  }
0x170: {  	s6 =	simm.s32 $0x280;
	v8 =	vld [tilespmem:s5+$0x0]  }
.LBB2_9:
0x171: {  	p1 =	sne.s32 s6, $0x9B00;
	_ =	sdelay $0x3  }
0x172: {  	v8 =	vsub.s32 v8, v7;
	_ =	sdelay $0x1  }
0x173: {  	v9 =	vld [tilespmem:s5+$0x10];
	_ =	sdelay $0x2  }
0x174: {  	v8 =	vld.idx.msk [tilespmem:v8+s31+$0x0], $0xffff;
	_ =	sdelay $0x1  }
0x175: {  	v9 =	vsub.s32 v9, v7;
	_ =	sdelay $0x1  }
0x176: {  	v10 =	vld [tilespmem:s5+$0x20];
	_ =	sdelay $0x1  }
0x177: {  	[tilespmem:s5+$0x8F80] =	vst v8  }
0x178: {  	v8 =	vld.idx.msk [tilespmem:v9+s31+$0x0], $0xffff;
	_ =	sdelay $0x1  }
0x179: {  	v9 =	vsub.s32 v10, v7;
	_ =	sdelay $0x1  }
0x17a: {  	v10 =	vld [tilespmem:s5+$0x30];
	_ =	sdelay $0x1  }
0x17b: {  	[tilespmem:s5+$0x8F90] =	vst v8  }
0x17c: {  	v8 =	vld.idx.msk [tilespmem:v9+s31+$0x0], $0xffff;
	_ =	sdelay $0x1  }
0x17d: {  	v9 =	vsub.s32 v10, v7;
	_ =	sdelay $0x1  }
0x17e: {  	v10 =	vld [tilespmem:s5+$0x40];
	_ =	sdelay $0x1  }
0x17f: {  	[tilespmem:s5+$0x8FA0] =	vst v8  }
0x180: {  	v8 =	vld.idx.msk [tilespmem:v9+s31+$0x0], $0xffff;
	_ =	sdelay $0x1  }
0x181: {  	v9 =	vsub.s32 v10, v7;
	_ =	sdelay $0x3  }
0x182: {  	[tilespmem:s5+$0x8FB0] =	vst v8  }
0x183: {  	v8 =	vld.idx.msk [tilespmem:v9+s31+$0x0], $0xffff;
	_ =	sdelay $0x2  }
.Ltmp3:
0x184: {  	(pc) =	sbr.rel @p1 .LBB2_9-.Ltmp3, $4  }
0x185: {  	_ = 	snop  }
0x186: {  	s21 =	sshra.s32 s6, $0x2;
	s22 =	sadd.s32 $0x8F80, s5;
	s2 =	sadd.s32 $0x80, s2  }
0x187: {  	[tilespmem:s5+$0x8FC0] =	vst v8;
	[spmem:s4] =	stream.indirect.scatter.add.f32 [tilespmem:s22], [sflag:$0x1], $0x1, s2, s25, $0xb8  }
0x188: {  	s6 =	sadd.s32 $0x140, s6;
	s5 =	smov.u32 s21;
	v8 =	vld [tilespmem:s21+$0x0]  }
0x189: {  	_ =	sdelay $0x3  }
0x18a: {  	v8 =	vsub.s32 v8, v7  }
0x18b: {  	v9 =	vld [tilespmem:s5+$0x10];
	_ =	sdelay $0x3  }
0x18c: {  	v8 =	vld.idx.msk [tilespmem:v8+s31+$0x0], $0xffff  }
0x18d: {  	v9 =	vsub.s32 v9, v7  }
0x18e: {  	v10 =	vld [tilespmem:s5+$0x20];
	_ =	sdelay $0x2  }
0x18f: {  	[tilespmem:s5+$0x8F80] =	vst v8  }
0x190: {  	v8 =	vld.idx.msk [tilespmem:v9+s31+$0x0], $0xffff  }
0x191: {  	v9 =	vsub.s32 v10, v7  }
0x192: {  	v10 =	vld [tilespmem:s5+$0x30];
	_ =	sdelay $0x2  }
0x193: {  	[tilespmem:s5+$0x8F90] =	vst v8  }
0x194: {  	v8 =	vld.idx.msk [tilespmem:v9+s31+$0x0], $0xffff  }
0x195: {  	v9 =	vsub.s32 v10, v7  }
0x196: {  	v10 =	vld [tilespmem:s5+$0x40];
	_ =	sdelay $0x2  }
0x197: {  	[tilespmem:s5+$0x8FA0] =	vst v8  }
0x198: {  	v8 =	vld.idx.msk [tilespmem:v9+s31+$0x0], $0xffff  }
0x199: {  	v7 =	vsub.s32 v10, v7;
	_ =	sdelay $0x3  }
0x19a: {  	[tilespmem:s5+$0x8FB0] =	vst v8  }
0x19b: {  	v7 =	vld.idx.msk [tilespmem:v7+s31+$0x0], $0xffff;
	_ =	sdelay $0x4  }
0x19c: {  	s6 =	sadd.s32 $0x8F80, s5;
	s2 =	sadd.s32 $0x80, s2;
	[tilespmem:s5+$0x8FC0] =	vst v7  }
0x19d: {  	[spmem:s4] =	stream.indirect.scatter.add.f32 [tilespmem:s6], [sflag:$0x1], $0x1, s2, s25, $0xb8;
	[tilespmem:$0x10090] =	vst v63  }
0x19e: {  	_ =	swait.ge [sflag:s28], $0x2710  }
0x19f: {  	[sflag:s28] =	ssyncset.done $0x0  }
0x1a0: {  	[sflag:s28] =	ssyncadd.s32 $0xFFFFD8F0  }
0x1a1: {  	[bflag:$0x0] =	sbarrier.arrive $0xFFFF  }
0x1a2: {  	[tilespmem:s0], [sflag:$0x2] =	stream.linear.gather [spmem:s14], $0x280, $0x38;
	[tilespmem:$0x10090] =	vst v63  }
0x1a3: {  	_ =	swait.ge [sflag:s20], $0x280  }
0x1a4: {  	[sflag:s20] =	ssyncset.done $0x0  }
0x1a5: {  	s2 =	simm.s32 $0x0;
	[sflag:s20] =	ssyncadd.s32 $0xFFFFFD80  }
0x1a6: {  	v7 =	vld [tilespmem:s2+$0xC100]  }
0x1a7: {  	v8 =	vld [tilespmem:s2+$0xBC00];
	_ =	sdelay $0x1  }
0x1a8: {  	v9 =	vld [tilespmem:s2+$0xBE80]  }
0x1a9: {  	s5 =	simm.s32 $0x40  }
.LBB2_11:
0x1aa: {  	s6 =	sshra.s32 s5, $0x2;
	p1 =	sne.s32 s5, $0x9C0  }
.Ltmp4:
0x1ab: {  	s5 =	sadd.s32 $0x40, s5;
	v10 =	vadd.f32 v8, v7;
	v7 =	vld [tilespmem:s6+$0xC100];
	(pc) =	sbr.rel @p1 .LBB2_11-.Ltmp4, $4  }
0x1ac: {  	v8 =	vld [tilespmem:s6+$0xBC00]  }
0x1ad: {  	v10 =	vmul.f32 v10, v9  }
0x1ae: {  	v9 =	vld [tilespmem:s6+$0xBE80]  }
0x1af: {  	[tilespmem:s2+$0xC380] =	vst v10;
	s2 =	smov.u32 s6  }
0x1b0: {  	_ = 	snop  }
0x1b1: {  	v7 =	vadd.f32 v8, v7;
	_ =	sdelay $0x1  }
0x1b2: {  	v7 =	vmul.f32 v7, v9;
	_ =	sdelay $0x1  }
.Ltmp5:
0x1b3: {  	s23 =	sadd.s32 s10, s18;
	s5 =	simm.s32 $0x0;
	[tilespmem:s2+$0xC380] =	vst v7;
	(pc) =	sbr.rel @p0 .LBB2_2-.Ltmp5, $4  }
0x1b4: {  	[hbm4b:s23+s5] =	stream.linear.scatter [tilespmem:s7], [sflag:$0x2], $0x280, $0x38;
	[tilespmem:$0x10090] =	vst v63  }
0x1b5: {  	_ =	swait.ge [sflag:s20], $0x280  }
0x1b6: {  	[sflag:s20] =	ssyncset.done $0x0  }
0x1b7: {  	p1 =	por $0x0, $0x0;
	s2 =	simm.s32 $0x1;
	[sflag:s20] =	ssyncadd.s32 $0xFFFFFD80  }
0x1b8: {  	s5 =	rddreg [dreg:$0x8]  }
0x1b9: {  	s2 =	rddreg [dreg:$0x7];
	s5 =	sadd.s32 $0x1, s5  }
0x1ba: {  	p0 =	sne.s32 s5, s2  }
.Ltmp6:
0x1bb: {  	_ = 	snop;
	(pc) =	sbr.rel @p0 .LBB2_1-.Ltmp6, $1  }
0x1bc: {  	_ =	sdelay $0x3  }
0x1bd: {  	_ =	sfence.sel $0x180000  }
0x1be: {  	[bflag:$0x0] =	sbarrier.arrive $0xFFFF  }
0x1bf: {  	_ =	strace $0x90000047  }
0x1c0: {  	s0 =	stileid.u32;
	[bflag:$0x2] =	sbarrier.arrive $0xFFFF  }
0x1c1: {  	p0 =	sne.s32 s0, $0x0;
	s0 =	rddreg [dreg:$0x6]  }
0x1c2: {  	s0 =	sadd.s32 @!p0 $0x100000, s0  }
0x1c3: {  	[sflag:s0] =	ssyncadd.tile.s32 @!p0 $0x1;
	_ =	shalt  }
.Lfunc_end2:
_tile_overlayer_lowered:
.L_overlay_start_2:
0x1c4: {  	(tag) =	ssettag $0x2  }
0x1c5: {  	s0 =	rddreg [dreg:$0x0];
	s2 =	stileid.u32  }
0x1c6: {  	s1 =	rddreg [dreg:$0x1];
	p0 =	sne.s32 s2, $0x0  }
0x1c7: {  	s3 =	rddreg [dreg:$0x2];
	[bflag:$0x3] =	sbarrier.arrive $0xFFFF;
	s2 =	simm.s32 @!p0 $0x1C02  }
0x1c8: {  	[timem:s3], [sflag:s2] =	dma.local @!p0 [hbm:s0], s1  }
0x1c9: {  	s0 =	simm.s32 @!p0 $0x2  }
0x1ca: {  	_ =	swait.ge @!p0 [sflag:s0], s1  }
0x1cb: {  	s1 =	ssub.s32 @!p0 $0x0, s1;
	[sflag:s0] =	ssyncset.done @!p0 $0x0  }
0x1cc: {  	[sflag:s0] =	ssyncadd.s32 @!p0 s1  }
0x1cd: {  	[bflag:$0x3] =	sbarrier.arrive $0xFFFF  }
0x1ce: {  	_ =	shalt  }

</sc_bundles>
